<compile_context>
chip_gen: v7x
topology: tpu7x:2x2x1
jax: 0.10.2.dev20260603
libtpu: 0.0.44.dev20260713+nightly
codegen_flags: <defaults>
</compile_context>

<pallas_src>
import jax
import jax.numpy as jnp
from jax import lax
from jax.experimental import pallas as pl
from jax.experimental.pallas import tpu as pltpu
from jax.experimental.pallas import tpu_sc as plsc

_EMBED = 64
_MAXLEN = 200
_BATCH = 4096
_VOCAB = 1000000

_NC = 2
_NS = 16
_NW = _NC * _NS

_ROWS_W = _BATCH // _NW
_G0 = 104
_G1 = _MAXLEN - _G0
_LANES = 16
_NBUF = 4
_TOTAL = _BATCH * _MAXLEN


def _emb_body(table_hbm, idx_hbm, pos_hbm, out_hbm, pos_v, *rest):
    ibufs = rest[0:_NBUF]
    abufs = rest[_NBUF:2 * _NBUF]
    isems = rest[2 * _NBUF:3 * _NBUF]
    gsems = rest[3 * _NBUF:4 * _NBUF]
    wsems = rest[4 * _NBUF:5 * _NBUF]

    wid = lax.axis_index("s") * _NC + lax.axis_index("c")
    row0 = wid * _ROWS_W

    pltpu.sync_copy(pos_hbm, pos_v)

    def _idx_dma(j, s):
        pltpu.async_copy(idx_hbm.at[row0 + j], ibufs[s], isems[s])

    def _gathers(j, s):
        pltpu.async_copy(
            table_hbm.at[ibufs[s].at[pl.ds(0, _G0)]],
            abufs[s].at[pl.ds(0, _G0)],
            gsems[s],
        )
        pltpu.async_copy(
            table_hbm.at[ibufs[s].at[pl.ds(_G0, _G1)]],
            abufs[s].at[pl.ds(_G0, _G1)],
            gsems[s],
        )

    def _wait_gathers(s):
        pltpu.make_async_copy(
            table_hbm.at[ibufs[s].at[pl.ds(0, _G0)]],
            abufs[s].at[pl.ds(0, _G0)],
            gsems[s],
        ).wait()
        pltpu.make_async_copy(
            table_hbm.at[ibufs[s].at[pl.ds(_G0, _G1)]],
            abufs[s].at[pl.ds(_G0, _G1)],
            gsems[s],
        ).wait()

    def _wait_idx(s):
        pltpu.make_async_copy(idx_hbm.at[row0], ibufs[s], isems[s]).wait()

    def _wb(j, s):
        pltpu.async_copy(
            abufs[s],
            out_hbm.at[pl.ds((row0 + j) * _MAXLEN, _MAXLEN), pl.ds(0, _EMBED)],
            wsems[s],
        )

    def _wait_wb(s):
        pltpu.make_async_copy(
            abufs[s],
            out_hbm.at[pl.ds(row0 * _MAXLEN, _MAXLEN), pl.ds(0, _EMBED)],
            wsems[s],
        ).wait()

    for s in range(_NBUF):
        _idx_dma(s, s)
    for jg in range(2):
        _wait_idx(jg)
        _gathers(jg, jg)

    @pl.loop(0, _ROWS_W, step=_NBUF)
    def _steps(j0):
        for b in range(_NBUF):
            j = j0 + b
            sg = (b + 2) % _NBUF

            @pl.when(j < _ROWS_W - 2)
            def _():
                _wait_idx(sg)

                @pl.when(j >= 2)
                def _():
                    _wait_wb(sg)

                _gathers(j + 2, sg)

            _wait_gathers(b)

            @pl.when(j < _ROWS_W - _NBUF)
            def _():
                _idx_dma(j + _NBUF, b)

            @plsc.parallel_loop(0, _MAXLEN, unroll=2)
            def _row(r):
                for c in range(0, _EMBED, _LANES):
                    abufs[b][r, pl.ds(c, _LANES)] = (
                        abufs[b][r, pl.ds(c, _LANES)] + pos_v[r, pl.ds(c, _LANES)]
                    )

            _wb(j, b)

    for s in range(_NBUF):
        _wait_wb(s)


def kernel(inputs, token_table, pos_emb):
    mesh = plsc.VectorSubcoreMesh(core_axis_name="c", subcore_axis_name="s")
    idx = inputs.astype(jnp.int32)
    scratch = (
        [pltpu.VMEM((_MAXLEN, _EMBED), jnp.float32)]
        + [pltpu.VMEM((_MAXLEN,), jnp.int32) for _ in range(_NBUF)]
        + [pltpu.VMEM((_MAXLEN, _EMBED), jnp.float32) for _ in range(_NBUF)]
        + [pltpu.SemaphoreType.DMA for _ in range(3 * _NBUF)]
    )
    k = pl.kernel(
        _emb_body,
        out_type=jax.ShapeDtypeStruct((_TOTAL, 128), jnp.float32),
        mesh=mesh,
        compiler_params=pltpu.CompilerParams(use_tc_tiling_on_sc=False),
        scratch_types=scratch,
    )
    out = k(token_table, idx, pos_emb)
    return out[:, :_EMBED].reshape(_BATCH, _MAXLEN, _EMBED)

# --- scband reference (transcript-rebuilt; emitter-appended) ---
"""Pipeline reference for scband-token-and-position-embedding-46961172414948 (READ-ONLY COPY).

The authoritative reference and input builder live on the scoring server;
editing this copy changes nothing except your own understanding.
"""

import jax, jax.numpy as jnp
import numpy as np

VOCAB = 1000000
EMBED = 64
MAXLEN = 200
BATCH = 4096

def setup_inputs(seed: int = 0) -> dict:
    key = jax.random.key(seed)
    k1, k2, k3 = jax.random.split(key, 3)
    inputs = jax.random.randint(k1, (BATCH, MAXLEN), 0, VOCAB, dtype=jnp.int64) if jax.config.jax_enable_x64 else jax.random.randint(k1, (BATCH, MAXLEN), 0, VOCAB, dtype=jnp.int32)
    token_table = jax.random.normal(k2, (VOCAB, EMBED), dtype=jnp.float32) * 0.02
    pos_emb = jax.random.normal(k3, (MAXLEN, EMBED), dtype=jnp.float32)
    return {"inputs": inputs, "token_table": token_table, "pos_emb": pos_emb}

def reference(inputs, token_table, pos_emb):
    # token embedding lookup (gather) then add position embeddings (broadcast over batch)
    embedded_tokens = jnp.take(token_table, inputs, axis=0)  # [B, L, D]
    return embedded_tokens + pos_emb[None, :, :]

if __name__ == "__main__":
    import jax
    _d = setup_inputs()
    print(jax.jit(kernel)(*tuple(_d.values())))

</pallas_src>

<mosaic_0001>
#map = affine_map<(d0, d1) -> (0, 0)>
module attributes {stable_mosaic.version = 14 : i64} {
  func.func @_emb_body(%arg0: i32, %arg1: i32, %arg2: memref<1000000x64xf32, #tpu.memory_space<hbm>>, %arg3: memref<4096x200xi32, #tpu.memory_space<hbm>>, %arg4: memref<200x64xf32, #tpu.memory_space<hbm>>, %arg5: memref<819200x128xf32, #tpu.memory_space<hbm>>, %arg6: memref<200x64xf32, #tpu.memory_space<vmem>>, %arg7: memref<200xi32, #tpu.memory_space<vmem>>, %arg8: memref<200xi32, #tpu.memory_space<vmem>>, %arg9: memref<200xi32, #tpu.memory_space<vmem>>, %arg10: memref<200xi32, #tpu.memory_space<vmem>>, %arg11: memref<200x64xf32, #tpu.memory_space<vmem>>, %arg12: memref<200x64xf32, #tpu.memory_space<vmem>>, %arg13: memref<200x64xf32, #tpu.memory_space<vmem>>, %arg14: memref<200x64xf32, #tpu.memory_space<vmem>>, %arg15: memref<!tpu.dma_semaphore, #tpu.memory_space<semaphore_mem>>, %arg16: memref<!tpu.dma_semaphore, #tpu.memory_space<semaphore_mem>>, %arg17: memref<!tpu.dma_semaphore, #tpu.memory_space<semaphore_mem>>, %arg18: memref<!tpu.dma_semaphore, #tpu.memory_space<semaphore_mem>>, %arg19: memref<!tpu.dma_semaphore, #tpu.memory_space<semaphore_mem>>, %arg20: memref<!tpu.dma_semaphore, #tpu.memory_space<semaphore_mem>>, %arg21: memref<!tpu.dma_semaphore, #tpu.memory_space<semaphore_mem>>, %arg22: memref<!tpu.dma_semaphore, #tpu.memory_space<semaphore_mem>>, %arg23: memref<!tpu.dma_semaphore, #tpu.memory_space<semaphore_mem>>, %arg24: memref<!tpu.dma_semaphore, #tpu.memory_space<semaphore_mem>>, %arg25: memref<!tpu.dma_semaphore, #tpu.memory_space<semaphore_mem>>, %arg26: memref<!tpu.dma_semaphore, #tpu.memory_space<semaphore_mem>>) attributes {dimension_semantics = [#tpu.dimension_semantics<core_parallel>, #tpu.dimension_semantics<subcore_parallel>], iteration_bounds = array<i64: 2, 16>, scalar_prefetch = 0 : i64, scratch_operands = 21 : i64, tpu.core_type = #tpu.core_type<sc_vector_subcore>, window_params = [{transform_indices = #map}, {transform_indices = #map}, {transform_indices = #map}, {transform_indices = #map}]} {
    %mul3A = arith.constant 2 : i32
    %mul3A_0 = arith.muli %arg1, %mul3A : i32
    %add3A = arith.addi %mul3A_0, %arg0 : i32
    %mul3A_1 = arith.constant 128 : i32
    %mul3A_2 = arith.muli %add3A, %mul3A_1 : i32
    "tpu.region"() ({
      %run_scoped3A = tpu.sem_alloc : memref<!tpu.dma_semaphore, #tpu.memory_space<semaphore_mem>>
      tpu.enqueue_dma source(%arg4 : memref<200x64xf32, #tpu.memory_space<hbm>>) target(%arg6 : memref<200x64xf32, #tpu.memory_space<vmem>>) target_semaphore(%run_scoped3A : memref<!tpu.dma_semaphore, #tpu.memory_space<semaphore_mem>>)
      tpu.wait_dma2 semaphore(%run_scoped3A : memref<!tpu.dma_semaphore, #tpu.memory_space<semaphore_mem>>) src(%arg4 : memref<200x64xf32, #tpu.memory_space<hbm>>) dst(%arg6 : memref<200x64xf32, #tpu.memory_space<vmem>>)
      tpu.yield
    }) : () -> ()
    %add3A_3 = arith.constant 0 : i32
    %add3A_4 = arith.addi %mul3A_2, %add3A_3 : i32
    %dma_start3A = arith.constant 0 : i32
    %dma_start3A_5 = tpu.memref_slice %arg3[%add3A_4, %dma_start3A] : memref<4096x200xi32, #tpu.memory_space<hbm>> -> memref<1x200xi32, #tpu.memory_space<hbm>>
    %dma_start3A_6 = tpu.memref_squeeze %dma_start3A_5 : memref<1x200xi32, #tpu.memory_space<hbm>> -> memref<200xi32, #tpu.memory_space<hbm>>
    %dma_start3A_7 = arith.constant 0 : i32
    %dma_start3A_8 = tpu.memref_slice %arg3[%add3A_4, %dma_start3A_7] : memref<4096x200xi32, #tpu.memory_space<hbm>> -> memref<1x200xi32, #tpu.memory_space<hbm>>
    %dma_start3A_9 = tpu.memref_squeeze %dma_start3A_8 : memref<1x200xi32, #tpu.memory_space<hbm>> -> memref<200xi32, #tpu.memory_space<hbm>>
    tpu.enqueue_dma source(%dma_start3A_9 : memref<200xi32, #tpu.memory_space<hbm>>) target(%arg7 : memref<200xi32, #tpu.memory_space<vmem>>) target_semaphore(%arg15 : memref<!tpu.dma_semaphore, #tpu.memory_space<semaphore_mem>>)
    %add3A_10 = arith.constant 1 : i32
    %add3A_11 = arith.addi %mul3A_2, %add3A_10 : i32
    %dma_start3A_12 = arith.constant 0 : i32
    %dma_start3A_13 = tpu.memref_slice %arg3[%add3A_11, %dma_start3A_12] : memref<4096x200xi32, #tpu.memory_space<hbm>> -> memref<1x200xi32, #tpu.memory_space<hbm>>
    %dma_start3A_14 = tpu.memref_squeeze %dma_start3A_13 : memref<1x200xi32, #tpu.memory_space<hbm>> -> memref<200xi32, #tpu.memory_space<hbm>>
    %dma_start3A_15 = arith.constant 0 : i32
    %dma_start3A_16 = tpu.memref_slice %arg3[%add3A_11, %dma_start3A_15] : memref<4096x200xi32, #tpu.memory_space<hbm>> -> memref<1x200xi32, #tpu.memory_space<hbm>>
    %dma_start3A_17 = tpu.memref_squeeze %dma_start3A_16 : memref<1x200xi32, #tpu.memory_space<hbm>> -> memref<200xi32, #tpu.memory_space<hbm>>
    tpu.enqueue_dma source(%dma_start3A_17 : memref<200xi32, #tpu.memory_space<hbm>>) target(%arg8 : memref<200xi32, #tpu.memory_space<vmem>>) target_semaphore(%arg16 : memref<!tpu.dma_semaphore, #tpu.memory_space<semaphore_mem>>)
    %add3A_18 = arith.constant 2 : i32
    %add3A_19 = arith.addi %mul3A_2, %add3A_18 : i32
    %dma_start3A_20 = arith.constant 0 : i32
    %dma_start3A_21 = tpu.memref_slice %arg3[%add3A_19, %dma_start3A_20] : memref<4096x200xi32, #tpu.memory_space<hbm>> -> memref<1x200xi32, #tpu.memory_space<hbm>>
    %dma_start3A_22 = tpu.memref_squeeze %dma_start3A_21 : memref<1x200xi32, #tpu.memory_space<hbm>> -> memref<200xi32, #tpu.memory_space<hbm>>
    %dma_start3A_23 = arith.constant 0 : i32
    %dma_start3A_24 = tpu.memref_slice %arg3[%add3A_19, %dma_start3A_23] : memref<4096x200xi32, #tpu.memory_space<hbm>> -> memref<1x200xi32, #tpu.memory_space<hbm>>
    %dma_start3A_25 = tpu.memref_squeeze %dma_start3A_24 : memref<1x200xi32, #tpu.memory_space<hbm>> -> memref<200xi32, #tpu.memory_space<hbm>>
    tpu.enqueue_dma source(%dma_start3A_25 : memref<200xi32, #tpu.memory_space<hbm>>) target(%arg9 : memref<200xi32, #tpu.memory_space<vmem>>) target_semaphore(%arg17 : memref<!tpu.dma_semaphore, #tpu.memory_space<semaphore_mem>>)
    %add3A_26 = arith.constant 3 : i32
    %add3A_27 = arith.addi %mul3A_2, %add3A_26 : i32
    %dma_start3A_28 = arith.constant 0 : i32
    %dma_start3A_29 = tpu.memref_slice %arg3[%add3A_27, %dma_start3A_28] : memref<4096x200xi32, #tpu.memory_space<hbm>> -> memref<1x200xi32, #tpu.memory_space<hbm>>
    %dma_start3A_30 = tpu.memref_squeeze %dma_start3A_29 : memref<1x200xi32, #tpu.memory_space<hbm>> -> memref<200xi32, #tpu.memory_space<hbm>>
    %dma_start3A_31 = arith.constant 0 : i32
    %dma_start3A_32 = tpu.memref_slice %arg3[%add3A_27, %dma_start3A_31] : memref<4096x200xi32, #tpu.memory_space<hbm>> -> memref<1x200xi32, #tpu.memory_space<hbm>>
    %dma_start3A_33 = tpu.memref_squeeze %dma_start3A_32 : memref<1x200xi32, #tpu.memory_space<hbm>> -> memref<200xi32, #tpu.memory_space<hbm>>
    tpu.enqueue_dma source(%dma_start3A_33 : memref<200xi32, #tpu.memory_space<hbm>>) target(%arg10 : memref<200xi32, #tpu.memory_space<vmem>>) target_semaphore(%arg18 : memref<!tpu.dma_semaphore, #tpu.memory_space<semaphore_mem>>)
    %dma_wait3A = arith.constant 0 : i32
    %dma_wait3A_34 = tpu.memref_slice %arg3[%mul3A_2, %dma_wait3A] : memref<4096x200xi32, #tpu.memory_space<hbm>> -> memref<1x200xi32, #tpu.memory_space<hbm>>
    %dma_wait3A_35 = tpu.memref_squeeze %dma_wait3A_34 : memref<1x200xi32, #tpu.memory_space<hbm>> -> memref<200xi32, #tpu.memory_space<hbm>>
    %dma_wait3A_36 = arith.constant 0 : i32
    %dma_wait3A_37 = tpu.memref_slice %arg3[%mul3A_2, %dma_wait3A_36] : memref<4096x200xi32, #tpu.memory_space<hbm>> -> memref<1x200xi32, #tpu.memory_space<hbm>>
    %dma_wait3A_38 = tpu.memref_squeeze %dma_wait3A_37 : memref<1x200xi32, #tpu.memory_space<hbm>> -> memref<200xi32, #tpu.memory_space<hbm>>
    tpu.wait_dma2 semaphore(%arg15 : memref<!tpu.dma_semaphore, #tpu.memory_space<semaphore_mem>>) src(%dma_wait3A_38 : memref<200xi32, #tpu.memory_space<hbm>>) dst(%arg7 : memref<200xi32, #tpu.memory_space<vmem>>)
    %dma_start3A_39 = arith.constant 0 : i32
    %dma_start3A_40 = arith.constant 0 : i32
    %dma_start3A_41 = tpu.memref_slice %arg11[%dma_start3A_39, %dma_start3A_40] : memref<200x64xf32, #tpu.memory_space<vmem>> -> memref<104x64xf32, #tpu.memory_space<vmem>>
    %dma_start3A_42 = arith.constant 0 : i32
    %dma_start3A_43 = tpu.memref_slice %arg7[%dma_start3A_42] : memref<200xi32, #tpu.memory_space<vmem>> -> memref<104xi32, #tpu.memory_space<vmem>>
    %dma_start3A_44 = arith.constant 0 : i32
    %dma_start3A_45 = arith.constant 0 : i32
    %dma_start3A_46 = tpu.memref_slice %arg2[%dma_start3A_44, %dma_start3A_45] : memref<1000000x64xf32, #tpu.memory_space<hbm>> -> memref<1000000x64xf32, #tpu.memory_space<hbm>>
    tpu.enqueue_indirect_dma source(%dma_start3A_46 : memref<1000000x64xf32, #tpu.memory_space<hbm>>) target(%dma_start3A_41 : memref<104x64xf32, #tpu.memory_space<vmem>>) offsets(%dma_start3A_43 : memref<104xi32, #tpu.memory_space<vmem>>) semaphore(%arg19 : memref<!tpu.dma_semaphore, #tpu.memory_space<semaphore_mem>>)
    %dma_start3A_47 = arith.constant 104 : i32
    %dma_start3A_48 = arith.constant 0 : i32
    %dma_start3A_49 = tpu.memref_slice %arg11[%dma_start3A_47, %dma_start3A_48] : memref<200x64xf32, #tpu.memory_space<vmem>> -> memref<96x64xf32, #tpu.memory_space<vmem>>
    %dma_start3A_50 = arith.constant 104 : i32
    %dma_start3A_51 = tpu.memref_slice %arg7[%dma_start3A_50] : memref<200xi32, #tpu.memory_space<vmem>> -> memref<96xi32, #tpu.memory_space<vmem>>
    %dma_start3A_52 = arith.constant 0 : i32
    %dma_start3A_53 = arith.constant 0 : i32
    %dma_start3A_54 = tpu.memref_slice %arg2[%dma_start3A_52, %dma_start3A_53] : memref<1000000x64xf32, #tpu.memory_space<hbm>> -> memref<1000000x64xf32, #tpu.memory_space<hbm>>
    tpu.enqueue_indirect_dma source(%dma_start3A_54 : memref<1000000x64xf32, #tpu.memory_space<hbm>>) target(%dma_start3A_49 : memref<96x64xf32, #tpu.memory_space<vmem>>) offsets(%dma_start3A_51 : memref<96xi32, #tpu.memory_space<vmem>>) semaphore(%arg19 : memref<!tpu.dma_semaphore, #tpu.memory_space<semaphore_mem>>)
    %dma_wait3A_55 = arith.constant 0 : i32
    %dma_wait3A_56 = tpu.memref_slice %arg3[%mul3A_2, %dma_wait3A_55] : memref<4096x200xi32, #tpu.memory_space<hbm>> -> memref<1x200xi32, #tpu.memory_space<hbm>>
    %dma_wait3A_57 = tpu.memref_squeeze %dma_wait3A_56 : memref<1x200xi32, #tpu.memory_space<hbm>> -> memref<200xi32, #tpu.memory_space<hbm>>
    %dma_wait3A_58 = arith.constant 0 : i32
    %dma_wait3A_59 = tpu.memref_slice %arg3[%mul3A_2, %dma_wait3A_58] : memref<4096x200xi32, #tpu.memory_space<hbm>> -> memref<1x200xi32, #tpu.memory_space<hbm>>
    %dma_wait3A_60 = tpu.memref_squeeze %dma_wait3A_59 : memref<1x200xi32, #tpu.memory_space<hbm>> -> memref<200xi32, #tpu.memory_space<hbm>>
    tpu.wait_dma2 semaphore(%arg16 : memref<!tpu.dma_semaphore, #tpu.memory_space<semaphore_mem>>) src(%dma_wait3A_60 : memref<200xi32, #tpu.memory_space<hbm>>) dst(%arg8 : memref<200xi32, #tpu.memory_space<vmem>>)
    %dma_start3A_61 = arith.constant 0 : i32
    %dma_start3A_62 = arith.constant 0 : i32
    %dma_start3A_63 = tpu.memref_slice %arg12[%dma_start3A_61, %dma_start3A_62] : memref<200x64xf32, #tpu.memory_space<vmem>> -> memref<104x64xf32, #tpu.memory_space<vmem>>
    %dma_start3A_64 = arith.constant 0 : i32
    %dma_start3A_65 = tpu.memref_slice %arg8[%dma_start3A_64] : memref<200xi32, #tpu.memory_space<vmem>> -> memref<104xi32, #tpu.memory_space<vmem>>
    %dma_start3A_66 = arith.constant 0 : i32
    %dma_start3A_67 = arith.constant 0 : i32
    %dma_start3A_68 = tpu.memref_slice %arg2[%dma_start3A_66, %dma_start3A_67] : memref<1000000x64xf32, #tpu.memory_space<hbm>> -> memref<1000000x64xf32, #tpu.memory_space<hbm>>
    tpu.enqueue_indirect_dma source(%dma_start3A_68 : memref<1000000x64xf32, #tpu.memory_space<hbm>>) target(%dma_start3A_63 : memref<104x64xf32, #tpu.memory_space<vmem>>) offsets(%dma_start3A_65 : memref<104xi32, #tpu.memory_space<vmem>>) semaphore(%arg20 : memref<!tpu.dma_semaphore, #tpu.memory_space<semaphore_mem>>)
    %dma_start3A_69 = arith.constant 104 : i32
    %dma_start3A_70 = arith.constant 0 : i32
    %dma_start3A_71 = tpu.memref_slice %arg12[%dma_start3A_69, %dma_start3A_70] : memref<200x64xf32, #tpu.memory_space<vmem>> -> memref<96x64xf32, #tpu.memory_space<vmem>>
    %dma_start3A_72 = arith.constant 104 : i32
    %dma_start3A_73 = tpu.memref_slice %arg8[%dma_start3A_72] : memref<200xi32, #tpu.memory_space<vmem>> -> memref<96xi32, #tpu.memory_space<vmem>>
    %dma_start3A_74 = arith.constant 0 : i32
    %dma_start3A_75 = arith.constant 0 : i32
    %dma_start3A_76 = tpu.memref_slice %arg2[%dma_start3A_74, %dma_start3A_75] : memref<1000000x64xf32, #tpu.memory_space<hbm>> -> memref<1000000x64xf32, #tpu.memory_space<hbm>>
    tpu.enqueue_indirect_dma source(%dma_start3A_76 : memref<1000000x64xf32, #tpu.memory_space<hbm>>) target(%dma_start3A_71 : memref<96x64xf32, #tpu.memory_space<vmem>>) offsets(%dma_start3A_73 : memref<96xi32, #tpu.memory_space<vmem>>) semaphore(%arg20 : memref<!tpu.dma_semaphore, #tpu.memory_space<semaphore_mem>>)
    %scan3A = arith.constant 0 : i32
    %scan3A_77 = arith.constant 32 : i32
    %scan3A_78 = arith.addi %scan3A, %scan3A_77 : i32
    %scan3A_79 = arith.constant 1 : i32
    scf.for %scan3A_105 = %scan3A to %scan3A_78 step %scan3A_79  : i32 {
      %mul3A_106 = arith.constant 4 : i32
      %mul3A_107 = arith.muli %scan3A_105, %mul3A_106 : i32
      %add3A_108 = arith.constant 0 : i32
      %add3A_109 = arith.addi %add3A_108, %mul3A_107 : i32
      %add3A_110 = arith.constant 0 : i32
      %add3A_111 = arith.addi %add3A_109, %add3A_110 : i32
      %lt3A = arith.constant 126 : i32
      %lt3A_112 = arith.cmpi slt, %add3A_111, %lt3A : i32
      %convert_element_type3A = arith.extui %lt3A_112 : i1 to i32
      %cond3A = arith.constant 0 : i32
      %cond3A_113 = arith.cmpi ne, %convert_element_type3A, %cond3A : i32
      scf.if %cond3A_113 {
        %dma_wait3A_258 = arith.constant 0 : i32
        %dma_wait3A_259 = tpu.memref_slice %arg3[%mul3A_2, %dma_wait3A_258] : memref<4096x200xi32, #tpu.memory_space<hbm>> -> memref<1x200xi32, #tpu.memory_space<hbm>>
        %dma_wait3A_260 = tpu.memref_squeeze %dma_wait3A_259 : memref<1x200xi32, #tpu.memory_space<hbm>> -> memref<200xi32, #tpu.memory_space<hbm>>
        %dma_wait3A_261 = arith.constant 0 : i32
        %dma_wait3A_262 = tpu.memref_slice %arg3[%mul3A_2, %dma_wait3A_261] : memref<4096x200xi32, #tpu.memory_space<hbm>> -> memref<1x200xi32, #tpu.memory_space<hbm>>
        %dma_wait3A_263 = tpu.memref_squeeze %dma_wait3A_262 : memref<1x200xi32, #tpu.memory_space<hbm>> -> memref<200xi32, #tpu.memory_space<hbm>>
        tpu.wait_dma2 semaphore(%arg17 : memref<!tpu.dma_semaphore, #tpu.memory_space<semaphore_mem>>) src(%dma_wait3A_263 : memref<200xi32, #tpu.memory_space<hbm>>) dst(%arg9 : memref<200xi32, #tpu.memory_space<vmem>>)
        %ge3A = arith.constant 2 : i32
        %ge3A_264 = arith.cmpi sge, %add3A_111, %ge3A : i32
        %convert_element_type3A_265 = arith.extui %ge3A_264 : i1 to i32
        %cond3A_266 = arith.constant 0 : i32
        %cond3A_267 = arith.cmpi ne, %convert_element_type3A_265, %cond3A_266 : i32
        scf.if %cond3A_267 {
          %mul3A_286 = arith.constant 200 : i32
          %mul3A_287 = arith.muli %mul3A_2, %mul3A_286 : i32
          %dma_wait3A_288 = arith.constant 0 : i32
          %dma_wait3A_289 = tpu.memref_slice %arg5[%mul3A_287, %dma_wait3A_288] : memref<819200x128xf32, #tpu.memory_space<hbm>> -> memref<200x64xf32, #tpu.memory_space<hbm>>
          %dma_wait3A_290 = arith.constant 0 : i32
          %dma_wait3A_291 = tpu.memref_slice %arg5[%mul3A_287, %dma_wait3A_290] : memref<819200x128xf32, #tpu.memory_space<hbm>> -> memref<200x64xf32, #tpu.memory_space<hbm>>
          tpu.wait_dma2 semaphore(%arg25 : memref<!tpu.dma_semaphore, #tpu.memory_space<semaphore_mem>>) src(%arg13 : memref<200x64xf32, #tpu.memory_space<vmem>>) dst(%dma_wait3A_291 : memref<200x64xf32, #tpu.memory_space<hbm>>)
        } else {
        }
        %add3A_268 = arith.constant 2 : i32
        %add3A_269 = arith.addi %add3A_111, %add3A_268 : i32
        %dma_start3A_270 = arith.constant 0 : i32
        %dma_start3A_271 = arith.constant 0 : i32
        %dma_start3A_272 = tpu.memref_slice %arg13[%dma_start3A_270, %dma_start3A_271] : memref<200x64xf32, #tpu.memory_space<vmem>> -> memref<104x64xf32, #tpu.memory_space<vmem>>
        %dma_start3A_273 = arith.constant 0 : i32
        %dma_start3A_274 = tpu.memref_slice %arg9[%dma_start3A_273] : memref<200xi32, #tpu.memory_space<vmem>> -> memref<104xi32, #tpu.memory_space<vmem>>
        %dma_start3A_275 = arith.constant 0 : i32
        %dma_start3A_276 = arith.constant 0 : i32
        %dma_start3A_277 = tpu.memref_slice %arg2[%dma_start3A_275, %dma_start3A_276] : memref<1000000x64xf32, #tpu.memory_space<hbm>> -> memref<1000000x64xf32, #tpu.memory_space<hbm>>
        tpu.enqueue_indirect_dma source(%dma_start3A_277 : memref<1000000x64xf32, #tpu.memory_space<hbm>>) target(%dma_start3A_272 : memref<104x64xf32, #tpu.memory_space<vmem>>) offsets(%dma_start3A_274 : memref<104xi32, #tpu.memory_space<vmem>>) semaphore(%arg21 : memref<!tpu.dma_semaphore, #tpu.memory_space<semaphore_mem>>)
        %dma_start3A_278 = arith.constant 104 : i32
        %dma_start3A_279 = arith.constant 0 : i32
        %dma_start3A_280 = tpu.memref_slice %arg13[%dma_start3A_278, %dma_start3A_279] : memref<200x64xf32, #tpu.memory_space<vmem>> -> memref<96x64xf32, #tpu.memory_space<vmem>>
        %dma_start3A_281 = arith.constant 104 : i32
        %dma_start3A_282 = tpu.memref_slice %arg9[%dma_start3A_281] : memref<200xi32, #tpu.memory_space<vmem>> -> memref<96xi32, #tpu.memory_space<vmem>>
        %dma_start3A_283 = arith.constant 0 : i32
        %dma_start3A_284 = arith.constant 0 : i32
        %dma_start3A_285 = tpu.memref_slice %arg2[%dma_start3A_283, %dma_start3A_284] : memref<1000000x64xf32, #tpu.memory_space<hbm>> -> memref<1000000x64xf32, #tpu.memory_space<hbm>>
        tpu.enqueue_indirect_dma source(%dma_start3A_285 : memref<1000000x64xf32, #tpu.memory_space<hbm>>) target(%dma_start3A_280 : memref<96x64xf32, #tpu.memory_space<vmem>>) offsets(%dma_start3A_282 : memref<96xi32, #tpu.memory_space<vmem>>) semaphore(%arg21 : memref<!tpu.dma_semaphore, #tpu.memory_space<semaphore_mem>>)
      } else {
      }
      %dma_wait3A_114 = arith.constant 0 : i32
      %dma_wait3A_115 = arith.constant 0 : i32
      %dma_wait3A_116 = tpu.memref_slice %arg11[%dma_wait3A_114, %dma_wait3A_115] : memref<200x64xf32, #tpu.memory_space<vmem>> -> memref<104x64xf32, #tpu.memory_space<vmem>>
      %dma_wait3A_117 = arith.constant 0 : i32
      %dma_wait3A_118 = tpu.memref_slice %arg7[%dma_wait3A_117] : memref<200xi32, #tpu.memory_space<vmem>> -> memref<104xi32, #tpu.memory_space<vmem>>
      %dma_wait3A_119 = arith.constant 0 : i32
      %dma_wait3A_120 = arith.constant 0 : i32
      %dma_wait3A_121 = tpu.memref_slice %arg2[%dma_wait3A_119, %dma_wait3A_120] : memref<1000000x64xf32, #tpu.memory_space<hbm>> -> memref<1000000x64xf32, #tpu.memory_space<hbm>>
      tpu.wait_indirect_dma semaphore(%arg19 : memref<!tpu.dma_semaphore, #tpu.memory_space<semaphore_mem>>) src(%dma_wait3A_121 : memref<1000000x64xf32, #tpu.memory_space<hbm>>) dst(%dma_wait3A_116 : memref<104x64xf32, #tpu.memory_space<vmem>>)
      %dma_wait3A_122 = arith.constant 104 : i32
      %dma_wait3A_123 = arith.constant 0 : i32
      %dma_wait3A_124 = tpu.memref_slice %arg11[%dma_wait3A_122, %dma_wait3A_123] : memref<200x64xf32, #tpu.memory_space<vmem>> -> memref<96x64xf32, #tpu.memory_space<vmem>>
      %dma_wait3A_125 = arith.constant 104 : i32
      %dma_wait3A_126 = tpu.memref_slice %arg7[%dma_wait3A_125] : memref<200xi32, #tpu.memory_space<vmem>> -> memref<96xi32, #tpu.memory_space<vmem>>
      %dma_wait3A_127 = arith.constant 0 : i32
      %dma_wait3A_128 = arith.constant 0 : i32
      %dma_wait3A_129 = tpu.memref_slice %arg2[%dma_wait3A_127, %dma_wait3A_128] : memref<1000000x64xf32, #tpu.memory_space<hbm>> -> memref<1000000x64xf32, #tpu.memory_space<hbm>>
      tpu.wait_indirect_dma semaphore(%arg19 : memref<!tpu.dma_semaphore, #tpu.memory_space<semaphore_mem>>) src(%dma_wait3A_129 : memref<1000000x64xf32, #tpu.memory_space<hbm>>) dst(%dma_wait3A_124 : memref<96x64xf32, #tpu.memory_space<vmem>>)
      %lt3A_130 = arith.constant 124 : i32
      %lt3A_131 = arith.cmpi slt, %add3A_111, %lt3A_130 : i32
      %convert_element_type3A_132 = arith.extui %lt3A_131 : i1 to i32
      %cond3A_133 = arith.constant 0 : i32
      %cond3A_134 = arith.cmpi ne, %convert_element_type3A_132, %cond3A_133 : i32
      scf.if %cond3A_134 {
        %add3A_258 = arith.constant 4 : i32
        %add3A_259 = arith.addi %add3A_111, %add3A_258 : i32
        %add3A_260 = arith.addi %mul3A_2, %add3A_259 : i32
        %dma_start3A_261 = arith.constant 0 : i32
        %dma_start3A_262 = tpu.memref_slice %arg3[%add3A_260, %dma_start3A_261] : memref<4096x200xi32, #tpu.memory_space<hbm>> -> memref<1x200xi32, #tpu.memory_space<hbm>>
        %dma_start3A_263 = tpu.memref_squeeze %dma_start3A_262 : memref<1x200xi32, #tpu.memory_space<hbm>> -> memref<200xi32, #tpu.memory_space<hbm>>
        %dma_start3A_264 = arith.constant 0 : i32
        %dma_start3A_265 = tpu.memref_slice %arg3[%add3A_260, %dma_start3A_264] : memref<4096x200xi32, #tpu.memory_space<hbm>> -> memref<1x200xi32, #tpu.memory_space<hbm>>
        %dma_start3A_266 = tpu.memref_squeeze %dma_start3A_265 : memref<1x200xi32, #tpu.memory_space<hbm>> -> memref<200xi32, #tpu.memory_space<hbm>>
        tpu.enqueue_dma source(%dma_start3A_266 : memref<200xi32, #tpu.memory_space<hbm>>) target(%arg7 : memref<200xi32, #tpu.memory_space<vmem>>) target_semaphore(%arg15 : memref<!tpu.dma_semaphore, #tpu.memory_space<semaphore_mem>>)
      } else {
      }
      %parallel_loop3A = arith.constant 0 : i32
      %parallel_loop3A_135 = arith.constant 200 : i32
      %parallel_loop3A_136 = arith.constant 1 : i32
      scf.for %parallel_loop3A_258 = %parallel_loop3A to %parallel_loop3A_135 step %parallel_loop3A_136  : i32 {
        %parallel_loop3A_259 = arith.index_cast %parallel_loop3A_258 : i32 to index
        %parallel_loop3A_260 = arith.constant 0 : index
        %parallel_loop3A_261 = tpu.vector_load %arg11[%parallel_loop3A_259, %parallel_loop3A_260] {strides = array<i32>} : memref<200x64xf32, #tpu.memory_space<vmem>>, vector<1x16xf32>,
        %parallel_loop3A_262 = vector.shape_cast %parallel_loop3A_261 : vector<1x16xf32> to vector<16xf32>
        %parallel_loop3A_263 = arith.index_cast %parallel_loop3A_258 : i32 to index
        %parallel_loop3A_264 = arith.constant 0 : index
        %parallel_loop3A_265 = tpu.vector_load %arg6[%parallel_loop3A_263, %parallel_loop3A_264] {strides = array<i32>} : memref<200x64xf32, #tpu.memory_space<vmem>>, vector<1x16xf32>,
        %parallel_loop3A_266 = vector.shape_cast %parallel_loop3A_265 : vector<1x16xf32> to vector<16xf32>
        %parallel_loop3A_267 = arith.addf %parallel_loop3A_262, %parallel_loop3A_266 : vector<16xf32>
        %parallel_loop3A_268 = arith.index_cast %parallel_loop3A_258 : i32 to index
        %parallel_loop3A_269 = arith.constant 0 : index
        %parallel_loop3A_270 = tpu.vector_load %arg11[%parallel_loop3A_268, %parallel_loop3A_269] {strides = array<i32>} : memref<200x64xf32, #tpu.memory_space<vmem>>, vector<1x16xf32>,
        %parallel_loop3A_271 = vector.shape_cast %parallel_loop3A_270 : vector<1x16xf32> to vector<16xf32>
        %parallel_loop3A_272 = vector.shape_cast %parallel_loop3A_267 : vector<16xf32> to vector<1x16xf32>
        tpu.vector_store %arg11[%parallel_loop3A_268, %parallel_loop3A_269], %parallel_loop3A_272 {strides = array<i32>} : memref<200x64xf32, #tpu.memory_space<vmem>>, vector<1x16xf32>,
        %parallel_loop3A_273 = arith.index_cast %parallel_loop3A_258 : i32 to index
        %parallel_loop3A_274 = arith.constant 16 : index
        %parallel_loop3A_275 = tpu.vector_load %arg11[%parallel_loop3A_273, %parallel_loop3A_274] {strides = array<i32>} : memref<200x64xf32, #tpu.memory_space<vmem>>, vector<1x16xf32>,
        %parallel_loop3A_276 = vector.shape_cast %parallel_loop3A_275 : vector<1x16xf32> to vector<16xf32>
        %parallel_loop3A_277 = arith.index_cast %parallel_loop3A_258 : i32 to index
        %parallel_loop3A_278 = arith.constant 16 : index
        %parallel_loop3A_279 = tpu.vector_load %arg6[%parallel_loop3A_277, %parallel_loop3A_278] {strides = array<i32>} : memref<200x64xf32, #tpu.memory_space<vmem>>, vector<1x16xf32>,
        %parallel_loop3A_280 = vector.shape_cast %parallel_loop3A_279 : vector<1x16xf32> to vector<16xf32>
        %parallel_loop3A_281 = arith.addf %parallel_loop3A_276, %parallel_loop3A_280 : vector<16xf32>
        %parallel_loop3A_282 = arith.index_cast %parallel_loop3A_258 : i32 to index
        %parallel_loop3A_283 = arith.constant 16 : index
        %parallel_loop3A_284 = tpu.vector_load %arg11[%parallel_loop3A_282, %parallel_loop3A_283] {strides = array<i32>} : memref<200x64xf32, #tpu.memory_space<vmem>>, vector<1x16xf32>,
        %parallel_loop3A_285 = vector.shape_cast %parallel_loop3A_284 : vector<1x16xf32> to vector<16xf32>
        %parallel_loop3A_286 = vector.shape_cast %parallel_loop3A_281 : vector<16xf32> to vector<1x16xf32>
        tpu.vector_store %arg11[%parallel_loop3A_282, %parallel_loop3A_283], %parallel_loop3A_286 {strides = array<i32>} : memref<200x64xf32, #tpu.memory_space<vmem>>, vector<1x16xf32>,
        %parallel_loop3A_287 = arith.index_cast %parallel_loop3A_258 : i32 to index
        %parallel_loop3A_288 = arith.constant 32 : index
        %parallel_loop3A_289 = tpu.vector_load %arg11[%parallel_loop3A_287, %parallel_loop3A_288] {strides = array<i32>} : memref<200x64xf32, #tpu.memory_space<vmem>>, vector<1x16xf32>,
        %parallel_loop3A_290 = vector.shape_cast %parallel_loop3A_289 : vector<1x16xf32> to vector<16xf32>
        %parallel_loop3A_291 = arith.index_cast %parallel_loop3A_258 : i32 to index
        %parallel_loop3A_292 = arith.constant 32 : index
        %parallel_loop3A_293 = tpu.vector_load %arg6[%parallel_loop3A_291, %parallel_loop3A_292] {strides = array<i32>} : memref<200x64xf32, #tpu.memory_space<vmem>>, vector<1x16xf32>,
        %parallel_loop3A_294 = vector.shape_cast %parallel_loop3A_293 : vector<1x16xf32> to vector<16xf32>
        %parallel_loop3A_295 = arith.addf %parallel_loop3A_290, %parallel_loop3A_294 : vector<16xf32>
        %parallel_loop3A_296 = arith.index_cast %parallel_loop3A_258 : i32 to index
        %parallel_loop3A_297 = arith.constant 32 : index
        %parallel_loop3A_298 = tpu.vector_load %arg11[%parallel_loop3A_296, %parallel_loop3A_297] {strides = array<i32>} : memref<200x64xf32, #tpu.memory_space<vmem>>, vector<1x16xf32>,
        %parallel_loop3A_299 = vector.shape_cast %parallel_loop3A_298 : vector<1x16xf32> to vector<16xf32>
        %parallel_loop3A_300 = vector.shape_cast %parallel_loop3A_295 : vector<16xf32> to vector<1x16xf32>
        tpu.vector_store %arg11[%parallel_loop3A_296, %parallel_loop3A_297], %parallel_loop3A_300 {strides = array<i32>} : memref<200x64xf32, #tpu.memory_space<vmem>>, vector<1x16xf32>,
        %parallel_loop3A_301 = arith.index_cast %parallel_loop3A_258 : i32 to index
        %parallel_loop3A_302 = arith.constant 48 : index
        %parallel_loop3A_303 = tpu.vector_load %arg11[%parallel_loop3A_301, %parallel_loop3A_302] {strides = array<i32>} : memref<200x64xf32, #tpu.memory_space<vmem>>, vector<1x16xf32>,
        %parallel_loop3A_304 = vector.shape_cast %parallel_loop3A_303 : vector<1x16xf32> to vector<16xf32>
        %parallel_loop3A_305 = arith.index_cast %parallel_loop3A_258 : i32 to index
        %parallel_loop3A_306 = arith.constant 48 : index
        %parallel_loop3A_307 = tpu.vector_load %arg6[%parallel_loop3A_305, %parallel_loop3A_306] {strides = array<i32>} : memref<200x64xf32, #tpu.memory_space<vmem>>, vector<1x16xf32>,
        %parallel_loop3A_308 = vector.shape_cast %parallel_loop3A_307 : vector<1x16xf32> to vector<16xf32>
        %parallel_loop3A_309 = arith.addf %parallel_loop3A_304, %parallel_loop3A_308 : vector<16xf32>
        %parallel_loop3A_310 = arith.index_cast %parallel_loop3A_258 : i32 to index
        %parallel_loop3A_311 = arith.constant 48 : index
        %parallel_loop3A_312 = tpu.vector_load %arg11[%parallel_loop3A_310, %parallel_loop3A_311] {strides = array<i32>} : memref<200x64xf32, #tpu.memory_space<vmem>>, vector<1x16xf32>,
        %parallel_loop3A_313 = vector.shape_cast %parallel_loop3A_312 : vector<1x16xf32> to vector<16xf32>
        %parallel_loop3A_314 = vector.shape_cast %parallel_loop3A_309 : vector<16xf32> to vector<1x16xf32>
        tpu.vector_store %arg11[%parallel_loop3A_310, %parallel_loop3A_311], %parallel_loop3A_314 {strides = array<i32>} : memref<200x64xf32, #tpu.memory_space<vmem>>, vector<1x16xf32>,
      } {sc.loop_unroll_factor = 2 : i64, sc.parallel_access}
      %add3A_137 = arith.addi %mul3A_2, %add3A_111 : i32
      %mul3A_138 = arith.constant 200 : i32
      %mul3A_139 = arith.muli %add3A_137, %mul3A_138 : i32
      %dma_start3A_140 = arith.constant 0 : i32
      %dma_start3A_141 = tpu.memref_slice %arg5[%mul3A_139, %dma_start3A_140] : memref<819200x128xf32, #tpu.memory_space<hbm>> -> memref<200x64xf32, #tpu.memory_space<hbm>>
      %dma_start3A_142 = arith.constant 0 : i32
      %dma_start3A_143 = tpu.memref_slice %arg5[%mul3A_139, %dma_start3A_142] : memref<819200x128xf32, #tpu.memory_space<hbm>> -> memref<200x64xf32, #tpu.memory_space<hbm>>
      tpu.enqueue_dma source(%arg11 : memref<200x64xf32, #tpu.memory_space<vmem>>) target(%dma_start3A_143 : memref<200x64xf32, #tpu.memory_space<hbm>>) target_semaphore(%arg23 : memref<!tpu.dma_semaphore, #tpu.memory_space<semaphore_mem>>)
      %add3A_144 = arith.constant 1 : i32
      %add3A_145 = arith.addi %add3A_109, %add3A_144 : i32
      %lt3A_146 = arith.constant 126 : i32
      %lt3A_147 = arith.cmpi slt, %add3A_145, %lt3A_146 : i32
      %convert_element_type3A_148 = arith.extui %lt3A_147 : i1 to i32
      %cond3A_149 = arith.constant 0 : i32
      %cond3A_150 = arith.cmpi ne, %convert_element_type3A_148, %cond3A_149 : i32
      scf.if %cond3A_150 {
        %dma_wait3A_258 = arith.constant 0 : i32
        %dma_wait3A_259 = tpu.memref_slice %arg3[%mul3A_2, %dma_wait3A_258] : memref<4096x200xi32, #tpu.memory_space<hbm>> -> memref<1x200xi32, #tpu.memory_space<hbm>>
        %dma_wait3A_260 = tpu.memref_squeeze %dma_wait3A_259 : memref<1x200xi32, #tpu.memory_space<hbm>> -> memref<200xi32, #tpu.memory_space<hbm>>
        %dma_wait3A_261 = arith.constant 0 : i32
        %dma_wait3A_262 = tpu.memref_slice %arg3[%mul3A_2, %dma_wait3A_261] : memref<4096x200xi32, #tpu.memory_space<hbm>> -> memref<1x200xi32, #tpu.memory_space<hbm>>
        %dma_wait3A_263 = tpu.memref_squeeze %dma_wait3A_262 : memref<1x200xi32, #tpu.memory_space<hbm>> -> memref<200xi32, #tpu.memory_space<hbm>>
        tpu.wait_dma2 semaphore(%arg18 : memref<!tpu.dma_semaphore, #tpu.memory_space<semaphore_mem>>) src(%dma_wait3A_263 : memref<200xi32, #tpu.memory_space<hbm>>) dst(%arg10 : memref<200xi32, #tpu.memory_space<vmem>>)
        %ge3A = arith.constant 2 : i32
        %ge3A_264 = arith.cmpi sge, %add3A_145, %ge3A : i32
        %convert_element_type3A_265 = arith.extui %ge3A_264 : i1 to i32
        %cond3A_266 = arith.constant 0 : i32
        %cond3A_267 = arith.cmpi ne, %convert_element_type3A_265, %cond3A_266 : i32
        scf.if %cond3A_267 {
          %mul3A_286 = arith.constant 200 : i32
          %mul3A_287 = arith.muli %mul3A_2, %mul3A_286 : i32
          %dma_wait3A_288 = arith.constant 0 : i32
          %dma_wait3A_289 = tpu.memref_slice %arg5[%mul3A_287, %dma_wait3A_288] : memref<819200x128xf32, #tpu.memory_space<hbm>> -> memref<200x64xf32, #tpu.memory_space<hbm>>
          %dma_wait3A_290 = arith.constant 0 : i32
          %dma_wait3A_291 = tpu.memref_slice %arg5[%mul3A_287, %dma_wait3A_290] : memref<819200x128xf32, #tpu.memory_space<hbm>> -> memref<200x64xf32, #tpu.memory_space<hbm>>
          tpu.wait_dma2 semaphore(%arg26 : memref<!tpu.dma_semaphore, #tpu.memory_space<semaphore_mem>>) src(%arg14 : memref<200x64xf32, #tpu.memory_space<vmem>>) dst(%dma_wait3A_291 : memref<200x64xf32, #tpu.memory_space<hbm>>)
        } else {
        }
        %add3A_268 = arith.constant 2 : i32
        %add3A_269 = arith.addi %add3A_145, %add3A_268 : i32
        %dma_start3A_270 = arith.constant 0 : i32
        %dma_start3A_271 = arith.constant 0 : i32
        %dma_start3A_272 = tpu.memref_slice %arg14[%dma_start3A_270, %dma_start3A_271] : memref<200x64xf32, #tpu.memory_space<vmem>> -> memref<104x64xf32, #tpu.memory_space<vmem>>
        %dma_start3A_273 = arith.constant 0 : i32
        %dma_start3A_274 = tpu.memref_slice %arg10[%dma_start3A_273] : memref<200xi32, #tpu.memory_space<vmem>> -> memref<104xi32, #tpu.memory_space<vmem>>
        %dma_start3A_275 = arith.constant 0 : i32
        %dma_start3A_276 = arith.constant 0 : i32
        %dma_start3A_277 = tpu.memref_slice %arg2[%dma_start3A_275, %dma_start3A_276] : memref<1000000x64xf32, #tpu.memory_space<hbm>> -> memref<1000000x64xf32, #tpu.memory_space<hbm>>
        tpu.enqueue_indirect_dma source(%dma_start3A_277 : memref<1000000x64xf32, #tpu.memory_space<hbm>>) target(%dma_start3A_272 : memref<104x64xf32, #tpu.memory_space<vmem>>) offsets(%dma_start3A_274 : memref<104xi32, #tpu.memory_space<vmem>>) semaphore(%arg22 : memref<!tpu.dma_semaphore, #tpu.memory_space<semaphore_mem>>)
        %dma_start3A_278 = arith.constant 104 : i32
        %dma_start3A_279 = arith.constant 0 : i32
        %dma_start3A_280 = tpu.memref_slice %arg14[%dma_start3A_278, %dma_start3A_279] : memref<200x64xf32, #tpu.memory_space<vmem>> -> memref<96x64xf32, #tpu.memory_space<vmem>>
        %dma_start3A_281 = arith.constant 104 : i32
        %dma_start3A_282 = tpu.memref_slice %arg10[%dma_start3A_281] : memref<200xi32, #tpu.memory_space<vmem>> -> memref<96xi32, #tpu.memory_space<vmem>>
        %dma_start3A_283 = arith.constant 0 : i32
        %dma_start3A_284 = arith.constant 0 : i32
        %dma_start3A_285 = tpu.memref_slice %arg2[%dma_start3A_283, %dma_start3A_284] : memref<1000000x64xf32, #tpu.memory_space<hbm>> -> memref<1000000x64xf32, #tpu.memory_space<hbm>>
        tpu.enqueue_indirect_dma source(%dma_start3A_285 : memref<1000000x64xf32, #tpu.memory_space<hbm>>) target(%dma_start3A_280 : memref<96x64xf32, #tpu.memory_space<vmem>>) offsets(%dma_start3A_282 : memref<96xi32, #tpu.memory_space<vmem>>) semaphore(%arg22 : memref<!tpu.dma_semaphore, #tpu.memory_space<semaphore_mem>>)
      } else {
      }
      %dma_wait3A_151 = arith.constant 0 : i32
      %dma_wait3A_152 = arith.constant 0 : i32
      %dma_wait3A_153 = tpu.memref_slice %arg12[%dma_wait3A_151, %dma_wait3A_152] : memref<200x64xf32, #tpu.memory_space<vmem>> -> memref<104x64xf32, #tpu.memory_space<vmem>>
      %dma_wait3A_154 = arith.constant 0 : i32
      %dma_wait3A_155 = tpu.memref_slice %arg8[%dma_wait3A_154] : memref<200xi32, #tpu.memory_space<vmem>> -> memref<104xi32, #tpu.memory_space<vmem>>
      %dma_wait3A_156 = arith.constant 0 : i32
      %dma_wait3A_157 = arith.constant 0 : i32
      %dma_wait3A_158 = tpu.memref_slice %arg2[%dma_wait3A_156, %dma_wait3A_157] : memref<1000000x64xf32, #tpu.memory_space<hbm>> -> memref<1000000x64xf32, #tpu.memory_space<hbm>>
      tpu.wait_indirect_dma semaphore(%arg20 : memref<!tpu.dma_semaphore, #tpu.memory_space<semaphore_mem>>) src(%dma_wait3A_158 : memref<1000000x64xf32, #tpu.memory_space<hbm>>) dst(%dma_wait3A_153 : memref<104x64xf32, #tpu.memory_space<vmem>>)
      %dma_wait3A_159 = arith.constant 104 : i32
      %dma_wait3A_160 = arith.constant 0 : i32
      %dma_wait3A_161 = tpu.memref_slice %arg12[%dma_wait3A_159, %dma_wait3A_160] : memref<200x64xf32, #tpu.memory_space<vmem>> -> memref<96x64xf32, #tpu.memory_space<vmem>>
      %dma_wait3A_162 = arith.constant 104 : i32
      %dma_wait3A_163 = tpu.memref_slice %arg8[%dma_wait3A_162] : memref<200xi32, #tpu.memory_space<vmem>> -> memref<96xi32, #tpu.memory_space<vmem>>
      %dma_wait3A_164 = arith.constant 0 : i32
      %dma_wait3A_165 = arith.constant 0 : i32
      %dma_wait3A_166 = tpu.memref_slice %arg2[%dma_wait3A_164, %dma_wait3A_165] : memref<1000000x64xf32, #tpu.memory_space<hbm>> -> memref<1000000x64xf32, #tpu.memory_space<hbm>>
      tpu.wait_indirect_dma semaphore(%arg20 : memref<!tpu.dma_semaphore, #tpu.memory_space<semaphore_mem>>) src(%dma_wait3A_166 : memref<1000000x64xf32, #tpu.memory_space<hbm>>) dst(%dma_wait3A_161 : memref<96x64xf32, #tpu.memory_space<vmem>>)
      %lt3A_167 = arith.constant 124 : i32
      %lt3A_168 = arith.cmpi slt, %add3A_145, %lt3A_167 : i32
      %convert_element_type3A_169 = arith.extui %lt3A_168 : i1 to i32
      %cond3A_170 = arith.constant 0 : i32
      %cond3A_171 = arith.cmpi ne, %convert_element_type3A_169, %cond3A_170 : i32
      scf.if %cond3A_171 {
        %add3A_258 = arith.constant 4 : i32
        %add3A_259 = arith.addi %add3A_145, %add3A_258 : i32
        %add3A_260 = arith.addi %mul3A_2, %add3A_259 : i32
        %dma_start3A_261 = arith.constant 0 : i32
        %dma_start3A_262 = tpu.memref_slice %arg3[%add3A_260, %dma_start3A_261] : memref<4096x200xi32, #tpu.memory_space<hbm>> -> memref<1x200xi32, #tpu.memory_space<hbm>>
        %dma_start3A_263 = tpu.memref_squeeze %dma_start3A_262 : memref<1x200xi32, #tpu.memory_space<hbm>> -> memref<200xi32, #tpu.memory_space<hbm>>
        %dma_start3A_264 = arith.constant 0 : i32
        %dma_start3A_265 = tpu.memref_slice %arg3[%add3A_260, %dma_start3A_264] : memref<4096x200xi32, #tpu.memory_space<hbm>> -> memref<1x200xi32, #tpu.memory_space<hbm>>
        %dma_start3A_266 = tpu.memref_squeeze %dma_start3A_265 : memref<1x200xi32, #tpu.memory_space<hbm>> -> memref<200xi32, #tpu.memory_space<hbm>>
        tpu.enqueue_dma source(%dma_start3A_266 : memref<200xi32, #tpu.memory_space<hbm>>) target(%arg8 : memref<200xi32, #tpu.memory_space<vmem>>) target_semaphore(%arg16 : memref<!tpu.dma_semaphore, #tpu.memory_space<semaphore_mem>>)
      } else {
      }
      %parallel_loop3A_172 = arith.constant 0 : i32
      %parallel_loop3A_173 = arith.constant 200 : i32
      %parallel_loop3A_174 = arith.constant 1 : i32
      scf.for %parallel_loop3A_258 = %parallel_loop3A_172 to %parallel_loop3A_173 step %parallel_loop3A_174  : i32 {
        %parallel_loop3A_259 = arith.index_cast %parallel_loop3A_258 : i32 to index
        %parallel_loop3A_260 = arith.constant 0 : index
        %parallel_loop3A_261 = tpu.vector_load %arg12[%parallel_loop3A_259, %parallel_loop3A_260] {strides = array<i32>} : memref<200x64xf32, #tpu.memory_space<vmem>>, vector<1x16xf32>,
        %parallel_loop3A_262 = vector.shape_cast %parallel_loop3A_261 : vector<1x16xf32> to vector<16xf32>
        %parallel_loop3A_263 = arith.index_cast %parallel_loop3A_258 : i32 to index
        %parallel_loop3A_264 = arith.constant 0 : index
        %parallel_loop3A_265 = tpu.vector_load %arg6[%parallel_loop3A_263, %parallel_loop3A_264] {strides = array<i32>} : memref<200x64xf32, #tpu.memory_space<vmem>>, vector<1x16xf32>,
        %parallel_loop3A_266 = vector.shape_cast %parallel_loop3A_265 : vector<1x16xf32> to vector<16xf32>
        %parallel_loop3A_267 = arith.addf %parallel_loop3A_262, %parallel_loop3A_266 : vector<16xf32>
        %parallel_loop3A_268 = arith.index_cast %parallel_loop3A_258 : i32 to index
        %parallel_loop3A_269 = arith.constant 0 : index
        %parallel_loop3A_270 = tpu.vector_load %arg12[%parallel_loop3A_268, %parallel_loop3A_269] {strides = array<i32>} : memref<200x64xf32, #tpu.memory_space<vmem>>, vector<1x16xf32>,
        %parallel_loop3A_271 = vector.shape_cast %parallel_loop3A_270 : vector<1x16xf32> to vector<16xf32>
        %parallel_loop3A_272 = vector.shape_cast %parallel_loop3A_267 : vector<16xf32> to vector<1x16xf32>
        tpu.vector_store %arg12[%parallel_loop3A_268, %parallel_loop3A_269], %parallel_loop3A_272 {strides = array<i32>} : memref<200x64xf32, #tpu.memory_space<vmem>>, vector<1x16xf32>,
        %parallel_loop3A_273 = arith.index_cast %parallel_loop3A_258 : i32 to index
        %parallel_loop3A_274 = arith.constant 16 : index
        %parallel_loop3A_275 = tpu.vector_load %arg12[%parallel_loop3A_273, %parallel_loop3A_274] {strides = array<i32>} : memref<200x64xf32, #tpu.memory_space<vmem>>, vector<1x16xf32>,
        %parallel_loop3A_276 = vector.shape_cast %parallel_loop3A_275 : vector<1x16xf32> to vector<16xf32>
        %parallel_loop3A_277 = arith.index_cast %parallel_loop3A_258 : i32 to index
        %parallel_loop3A_278 = arith.constant 16 : index
        %parallel_loop3A_279 = tpu.vector_load %arg6[%parallel_loop3A_277, %parallel_loop3A_278] {strides = array<i32>} : memref<200x64xf32, #tpu.memory_space<vmem>>, vector<1x16xf32>,
        %parallel_loop3A_280 = vector.shape_cast %parallel_loop3A_279 : vector<1x16xf32> to vector<16xf32>
        %parallel_loop3A_281 = arith.addf %parallel_loop3A_276, %parallel_loop3A_280 : vector<16xf32>
        %parallel_loop3A_282 = arith.index_cast %parallel_loop3A_258 : i32 to index
        %parallel_loop3A_283 = arith.constant 16 : index
        %parallel_loop3A_284 = tpu.vector_load %arg12[%parallel_loop3A_282, %parallel_loop3A_283] {strides = array<i32>} : memref<200x64xf32, #tpu.memory_space<vmem>>, vector<1x16xf32>,
        %parallel_loop3A_285 = vector.shape_cast %parallel_loop3A_284 : vector<1x16xf32> to vector<16xf32>
        %parallel_loop3A_286 = vector.shape_cast %parallel_loop3A_281 : vector<16xf32> to vector<1x16xf32>
        tpu.vector_store %arg12[%parallel_loop3A_282, %parallel_loop3A_283], %parallel_loop3A_286 {strides = array<i32>} : memref<200x64xf32, #tpu.memory_space<vmem>>, vector<1x16xf32>,
        %parallel_loop3A_287 = arith.index_cast %parallel_loop3A_258 : i32 to index
        %parallel_loop3A_288 = arith.constant 32 : index
        %parallel_loop3A_289 = tpu.vector_load %arg12[%parallel_loop3A_287, %parallel_loop3A_288] {strides = array<i32>} : memref<200x64xf32, #tpu.memory_space<vmem>>, vector<1x16xf32>,
        %parallel_loop3A_290 = vector.shape_cast %parallel_loop3A_289 : vector<1x16xf32> to vector<16xf32>
        %parallel_loop3A_291 = arith.index_cast %parallel_loop3A_258 : i32 to index
        %parallel_loop3A_292 = arith.constant 32 : index
        %parallel_loop3A_293 = tpu.vector_load %arg6[%parallel_loop3A_291, %parallel_loop3A_292] {strides = array<i32>} : memref<200x64xf32, #tpu.memory_space<vmem>>, vector<1x16xf32>,
        %parallel_loop3A_294 = vector.shape_cast %parallel_loop3A_293 : vector<1x16xf32> to vector<16xf32>
        %parallel_loop3A_295 = arith.addf %parallel_loop3A_290, %parallel_loop3A_294 : vector<16xf32>
        %parallel_loop3A_296 = arith.index_cast %parallel_loop3A_258 : i32 to index
        %parallel_loop3A_297 = arith.constant 32 : index
        %parallel_loop3A_298 = tpu.vector_load %arg12[%parallel_loop3A_296, %parallel_loop3A_297] {strides = array<i32>} : memref<200x64xf32, #tpu.memory_space<vmem>>, vector<1x16xf32>,
        %parallel_loop3A_299 = vector.shape_cast %parallel_loop3A_298 : vector<1x16xf32> to vector<16xf32>
        %parallel_loop3A_300 = vector.shape_cast %parallel_loop3A_295 : vector<16xf32> to vector<1x16xf32>
        tpu.vector_store %arg12[%parallel_loop3A_296, %parallel_loop3A_297], %parallel_loop3A_300 {strides = array<i32>} : memref<200x64xf32, #tpu.memory_space<vmem>>, vector<1x16xf32>,
        %parallel_loop3A_301 = arith.index_cast %parallel_loop3A_258 : i32 to index
        %parallel_loop3A_302 = arith.constant 48 : index
        %parallel_loop3A_303 = tpu.vector_load %arg12[%parallel_loop3A_301, %parallel_loop3A_302] {strides = array<i32>} : memref<200x64xf32, #tpu.memory_space<vmem>>, vector<1x16xf32>,
        %parallel_loop3A_304 = vector.shape_cast %parallel_loop3A_303 : vector<1x16xf32> to vector<16xf32>
        %parallel_loop3A_305 = arith.index_cast %parallel_loop3A_258 : i32 to index
        %parallel_loop3A_306 = arith.constant 48 : index
        %parallel_loop3A_307 = tpu.vector_load %arg6[%parallel_loop3A_305, %parallel_loop3A_306] {strides = array<i32>} : memref<200x64xf32, #tpu.memory_space<vmem>>, vector<1x16xf32>,
        %parallel_loop3A_308 = vector.shape_cast %parallel_loop3A_307 : vector<1x16xf32> to vector<16xf32>
        %parallel_loop3A_309 = arith.addf %parallel_loop3A_304, %parallel_loop3A_308 : vector<16xf32>
        %parallel_loop3A_310 = arith.index_cast %parallel_loop3A_258 : i32 to index
        %parallel_loop3A_311 = arith.constant 48 : index
        %parallel_loop3A_312 = tpu.vector_load %arg12[%parallel_loop3A_310, %parallel_loop3A_311] {strides = array<i32>} : memref<200x64xf32, #tpu.memory_space<vmem>>, vector<1x16xf32>,
        %parallel_loop3A_313 = vector.shape_cast %parallel_loop3A_312 : vector<1x16xf32> to vector<16xf32>
        %parallel_loop3A_314 = vector.shape_cast %parallel_loop3A_309 : vector<16xf32> to vector<1x16xf32>
        tpu.vector_store %arg12[%parallel_loop3A_310, %parallel_loop3A_311], %parallel_loop3A_314 {strides = array<i32>} : memref<200x64xf32, #tpu.memory_space<vmem>>, vector<1x16xf32>,
      } {sc.loop_unroll_factor = 2 : i64, sc.parallel_access}
      %add3A_175 = arith.addi %mul3A_2, %add3A_145 : i32
      %mul3A_176 = arith.constant 200 : i32
      %mul3A_177 = arith.muli %add3A_175, %mul3A_176 : i32
      %dma_start3A_178 = arith.constant 0 : i32
      %dma_start3A_179 = tpu.memref_slice %arg5[%mul3A_177, %dma_start3A_178] : memref<819200x128xf32, #tpu.memory_space<hbm>> -> memref<200x64xf32, #tpu.memory_space<hbm>>
      %dma_start3A_180 = arith.constant 0 : i32
      %dma_start3A_181 = tpu.memref_slice %arg5[%mul3A_177, %dma_start3A_180] : memref<819200x128xf32, #tpu.memory_space<hbm>> -> memref<200x64xf32, #tpu.memory_space<hbm>>
      tpu.enqueue_dma source(%arg12 : memref<200x64xf32, #tpu.memory_space<vmem>>) target(%dma_start3A_181 : memref<200x64xf32, #tpu.memory_space<hbm>>) target_semaphore(%arg24 : memref<!tpu.dma_semaphore, #tpu.memory_space<semaphore_mem>>)
      %add3A_182 = arith.constant 2 : i32
      %add3A_183 = arith.addi %add3A_109, %add3A_182 : i32
      %lt3A_184 = arith.constant 126 : i32
      %lt3A_185 = arith.cmpi slt, %add3A_183, %lt3A_184 : i32
      %convert_element_type3A_186 = arith.extui %lt3A_185 : i1 to i32
      %cond3A_187 = arith.constant 0 : i32
      %cond3A_188 = arith.cmpi ne, %convert_element_type3A_186, %cond3A_187 : i32
      scf.if %cond3A_188 {
        %dma_wait3A_258 = arith.constant 0 : i32
        %dma_wait3A_259 = tpu.memref_slice %arg3[%mul3A_2, %dma_wait3A_258] : memref<4096x200xi32, #tpu.memory_space<hbm>> -> memref<1x200xi32, #tpu.memory_space<hbm>>
        %dma_wait3A_260 = tpu.memref_squeeze %dma_wait3A_259 : memref<1x200xi32, #tpu.memory_space<hbm>> -> memref<200xi32, #tpu.memory_space<hbm>>
        %dma_wait3A_261 = arith.constant 0 : i32
        %dma_wait3A_262 = tpu.memref_slice %arg3[%mul3A_2, %dma_wait3A_261] : memref<4096x200xi32, #tpu.memory_space<hbm>> -> memref<1x200xi32, #tpu.memory_space<hbm>>
        %dma_wait3A_263 = tpu.memref_squeeze %dma_wait3A_262 : memref<1x200xi32, #tpu.memory_space<hbm>> -> memref<200xi32, #tpu.memory_space<hbm>>
        tpu.wait_dma2 semaphore(%arg15 : memref<!tpu.dma_semaphore, #tpu.memory_space<semaphore_mem>>) src(%dma_wait3A_263 : memref<200xi32, #tpu.memory_space<hbm>>) dst(%arg7 : memref<200xi32, #tpu.memory_space<vmem>>)
        %ge3A = arith.constant 2 : i32
        %ge3A_264 = arith.cmpi sge, %add3A_183, %ge3A : i32
        %convert_element_type3A_265 = arith.extui %ge3A_264 : i1 to i32
        %cond3A_266 = arith.constant 0 : i32
        %cond3A_267 = arith.cmpi ne, %convert_element_type3A_265, %cond3A_266 : i32
        scf.if %cond3A_267 {
          %mul3A_286 = arith.constant 200 : i32
          %mul3A_287 = arith.muli %mul3A_2, %mul3A_286 : i32
          %dma_wait3A_288 = arith.constant 0 : i32
          %dma_wait3A_289 = tpu.memref_slice %arg5[%mul3A_287, %dma_wait3A_288] : memref<819200x128xf32, #tpu.memory_space<hbm>> -> memref<200x64xf32, #tpu.memory_space<hbm>>
          %dma_wait3A_290 = arith.constant 0 : i32
          %dma_wait3A_291 = tpu.memref_slice %arg5[%mul3A_287, %dma_wait3A_290] : memref<819200x128xf32, #tpu.memory_space<hbm>> -> memref<200x64xf32, #tpu.memory_space<hbm>>
          tpu.wait_dma2 semaphore(%arg23 : memref<!tpu.dma_semaphore, #tpu.memory_space<semaphore_mem>>) src(%arg11 : memref<200x64xf32, #tpu.memory_space<vmem>>) dst(%dma_wait3A_291 : memref<200x64xf32, #tpu.memory_space<hbm>>)
        } else {
        }
        %add3A_268 = arith.constant 2 : i32
        %add3A_269 = arith.addi %add3A_183, %add3A_268 : i32
        %dma_start3A_270 = arith.constant 0 : i32
        %dma_start3A_271 = arith.constant 0 : i32
        %dma_start3A_272 = tpu.memref_slice %arg11[%dma_start3A_270, %dma_start3A_271] : memref<200x64xf32, #tpu.memory_space<vmem>> -> memref<104x64xf32, #tpu.memory_space<vmem>>
        %dma_start3A_273 = arith.constant 0 : i32
        %dma_start3A_274 = tpu.memref_slice %arg7[%dma_start3A_273] : memref<200xi32, #tpu.memory_space<vmem>> -> memref<104xi32, #tpu.memory_space<vmem>>
        %dma_start3A_275 = arith.constant 0 : i32
        %dma_start3A_276 = arith.constant 0 : i32
        %dma_start3A_277 = tpu.memref_slice %arg2[%dma_start3A_275, %dma_start3A_276] : memref<1000000x64xf32, #tpu.memory_space<hbm>> -> memref<1000000x64xf32, #tpu.memory_space<hbm>>
        tpu.enqueue_indirect_dma source(%dma_start3A_277 : memref<1000000x64xf32, #tpu.memory_space<hbm>>) target(%dma_start3A_272 : memref<104x64xf32, #tpu.memory_space<vmem>>) offsets(%dma_start3A_274 : memref<104xi32, #tpu.memory_space<vmem>>) semaphore(%arg19 : memref<!tpu.dma_semaphore, #tpu.memory_space<semaphore_mem>>)
        %dma_start3A_278 = arith.constant 104 : i32
        %dma_start3A_279 = arith.constant 0 : i32
        %dma_start3A_280 = tpu.memref_slice %arg11[%dma_start3A_278, %dma_start3A_279] : memref<200x64xf32, #tpu.memory_space<vmem>> -> memref<96x64xf32, #tpu.memory_space<vmem>>
        %dma_start3A_281 = arith.constant 104 : i32
        %dma_start3A_282 = tpu.memref_slice %arg7[%dma_start3A_281] : memref<200xi32, #tpu.memory_space<vmem>> -> memref<96xi32, #tpu.memory_space<vmem>>
        %dma_start3A_283 = arith.constant 0 : i32
        %dma_start3A_284 = arith.constant 0 : i32
        %dma_start3A_285 = tpu.memref_slice %arg2[%dma_start3A_283, %dma_start3A_284] : memref<1000000x64xf32, #tpu.memory_space<hbm>> -> memref<1000000x64xf32, #tpu.memory_space<hbm>>
        tpu.enqueue_indirect_dma source(%dma_start3A_285 : memref<1000000x64xf32, #tpu.memory_space<hbm>>) target(%dma_start3A_280 : memref<96x64xf32, #tpu.memory_space<vmem>>) offsets(%dma_start3A_282 : memref<96xi32, #tpu.memory_space<vmem>>) semaphore(%arg19 : memref<!tpu.dma_semaphore, #tpu.memory_space<semaphore_mem>>)
      } else {
      }
      %dma_wait3A_189 = arith.constant 0 : i32
      %dma_wait3A_190 = arith.constant 0 : i32
      %dma_wait3A_191 = tpu.memref_slice %arg13[%dma_wait3A_189, %dma_wait3A_190] : memref<200x64xf32, #tpu.memory_space<vmem>> -> memref<104x64xf32, #tpu.memory_space<vmem>>
      %dma_wait3A_192 = arith.constant 0 : i32
      %dma_wait3A_193 = tpu.memref_slice %arg9[%dma_wait3A_192] : memref<200xi32, #tpu.memory_space<vmem>> -> memref<104xi32, #tpu.memory_space<vmem>>
      %dma_wait3A_194 = arith.constant 0 : i32
      %dma_wait3A_195 = arith.constant 0 : i32
      %dma_wait3A_196 = tpu.memref_slice %arg2[%dma_wait3A_194, %dma_wait3A_195] : memref<1000000x64xf32, #tpu.memory_space<hbm>> -> memref<1000000x64xf32, #tpu.memory_space<hbm>>
      tpu.wait_indirect_dma semaphore(%arg21 : memref<!tpu.dma_semaphore, #tpu.memory_space<semaphore_mem>>) src(%dma_wait3A_196 : memref<1000000x64xf32, #tpu.memory_space<hbm>>) dst(%dma_wait3A_191 : memref<104x64xf32, #tpu.memory_space<vmem>>)
      %dma_wait3A_197 = arith.constant 104 : i32
      %dma_wait3A_198 = arith.constant 0 : i32
      %dma_wait3A_199 = tpu.memref_slice %arg13[%dma_wait3A_197, %dma_wait3A_198] : memref<200x64xf32, #tpu.memory_space<vmem>> -> memref<96x64xf32, #tpu.memory_space<vmem>>
      %dma_wait3A_200 = arith.constant 104 : i32
      %dma_wait3A_201 = tpu.memref_slice %arg9[%dma_wait3A_200] : memref<200xi32, #tpu.memory_space<vmem>> -> memref<96xi32, #tpu.memory_space<vmem>>
      %dma_wait3A_202 = arith.constant 0 : i32
      %dma_wait3A_203 = arith.constant 0 : i32
      %dma_wait3A_204 = tpu.memref_slice %arg2[%dma_wait3A_202, %dma_wait3A_203] : memref<1000000x64xf32, #tpu.memory_space<hbm>> -> memref<1000000x64xf32, #tpu.memory_space<hbm>>
      tpu.wait_indirect_dma semaphore(%arg21 : memref<!tpu.dma_semaphore, #tpu.memory_space<semaphore_mem>>) src(%dma_wait3A_204 : memref<1000000x64xf32, #tpu.memory_space<hbm>>) dst(%dma_wait3A_199 : memref<96x64xf32, #tpu.memory_space<vmem>>)
      %lt3A_205 = arith.constant 124 : i32
      %lt3A_206 = arith.cmpi slt, %add3A_183, %lt3A_205 : i32
      %convert_element_type3A_207 = arith.extui %lt3A_206 : i1 to i32
      %cond3A_208 = arith.constant 0 : i32
      %cond3A_209 = arith.cmpi ne, %convert_element_type3A_207, %cond3A_208 : i32
      scf.if %cond3A_209 {
        %add3A_258 = arith.constant 4 : i32
        %add3A_259 = arith.addi %add3A_183, %add3A_258 : i32
        %add3A_260 = arith.addi %mul3A_2, %add3A_259 : i32
        %dma_start3A_261 = arith.constant 0 : i32
        %dma_start3A_262 = tpu.memref_slice %arg3[%add3A_260, %dma_start3A_261] : memref<4096x200xi32, #tpu.memory_space<hbm>> -> memref<1x200xi32, #tpu.memory_space<hbm>>
        %dma_start3A_263 = tpu.memref_squeeze %dma_start3A_262 : memref<1x200xi32, #tpu.memory_space<hbm>> -> memref<200xi32, #tpu.memory_space<hbm>>
        %dma_start3A_264 = arith.constant 0 : i32
        %dma_start3A_265 = tpu.memref_slice %arg3[%add3A_260, %dma_start3A_264] : memref<4096x200xi32, #tpu.memory_space<hbm>> -> memref<1x200xi32, #tpu.memory_space<hbm>>
        %dma_start3A_266 = tpu.memref_squeeze %dma_start3A_265 : memref<1x200xi32, #tpu.memory_space<hbm>> -> memref<200xi32, #tpu.memory_space<hbm>>
        tpu.enqueue_dma source(%dma_start3A_266 : memref<200xi32, #tpu.memory_space<hbm>>) target(%arg9 : memref<200xi32, #tpu.memory_space<vmem>>) target_semaphore(%arg17 : memref<!tpu.dma_semaphore, #tpu.memory_space<semaphore_mem>>)
      } else {
      }
      %parallel_loop3A_210 = arith.constant 0 : i32
      %parallel_loop3A_211 = arith.constant 200 : i32
      %parallel_loop3A_212 = arith.constant 1 : i32
      scf.for %parallel_loop3A_258 = %parallel_loop3A_210 to %parallel_loop3A_211 step %parallel_loop3A_212  : i32 {
        %parallel_loop3A_259 = arith.index_cast %parallel_loop3A_258 : i32 to index
        %parallel_loop3A_260 = arith.constant 0 : index
        %parallel_loop3A_261 = tpu.vector_load %arg13[%parallel_loop3A_259, %parallel_loop3A_260] {strides = array<i32>} : memref<200x64xf32, #tpu.memory_space<vmem>>, vector<1x16xf32>,
        %parallel_loop3A_262 = vector.shape_cast %parallel_loop3A_261 : vector<1x16xf32> to vector<16xf32>
        %parallel_loop3A_263 = arith.index_cast %parallel_loop3A_258 : i32 to index
        %parallel_loop3A_264 = arith.constant 0 : index
        %parallel_loop3A_265 = tpu.vector_load %arg6[%parallel_loop3A_263, %parallel_loop3A_264] {strides = array<i32>} : memref<200x64xf32, #tpu.memory_space<vmem>>, vector<1x16xf32>,
        %parallel_loop3A_266 = vector.shape_cast %parallel_loop3A_265 : vector<1x16xf32> to vector<16xf32>
        %parallel_loop3A_267 = arith.addf %parallel_loop3A_262, %parallel_loop3A_266 : vector<16xf32>
        %parallel_loop3A_268 = arith.index_cast %parallel_loop3A_258 : i32 to index
        %parallel_loop3A_269 = arith.constant 0 : index
        %parallel_loop3A_270 = tpu.vector_load %arg13[%parallel_loop3A_268, %parallel_loop3A_269] {strides = array<i32>} : memref<200x64xf32, #tpu.memory_space<vmem>>, vector<1x16xf32>,
        %parallel_loop3A_271 = vector.shape_cast %parallel_loop3A_270 : vector<1x16xf32> to vector<16xf32>
        %parallel_loop3A_272 = vector.shape_cast %parallel_loop3A_267 : vector<16xf32> to vector<1x16xf32>
        tpu.vector_store %arg13[%parallel_loop3A_268, %parallel_loop3A_269], %parallel_loop3A_272 {strides = array<i32>} : memref<200x64xf32, #tpu.memory_space<vmem>>, vector<1x16xf32>,
        %parallel_loop3A_273 = arith.index_cast %parallel_loop3A_258 : i32 to index
        %parallel_loop3A_274 = arith.constant 16 : index
        %parallel_loop3A_275 = tpu.vector_load %arg13[%parallel_loop3A_273, %parallel_loop3A_274] {strides = array<i32>} : memref<200x64xf32, #tpu.memory_space<vmem>>, vector<1x16xf32>,
        %parallel_loop3A_276 = vector.shape_cast %parallel_loop3A_275 : vector<1x16xf32> to vector<16xf32>
        %parallel_loop3A_277 = arith.index_cast %parallel_loop3A_258 : i32 to index
        %parallel_loop3A_278 = arith.constant 16 : index
        %parallel_loop3A_279 = tpu.vector_load %arg6[%parallel_loop3A_277, %parallel_loop3A_278] {strides = array<i32>} : memref<200x64xf32, #tpu.memory_space<vmem>>, vector<1x16xf32>,
        %parallel_loop3A_280 = vector.shape_cast %parallel_loop3A_279 : vector<1x16xf32> to vector<16xf32>
        %parallel_loop3A_281 = arith.addf %parallel_loop3A_276, %parallel_loop3A_280 : vector<16xf32>
        %parallel_loop3A_282 = arith.index_cast %parallel_loop3A_258 : i32 to index
        %parallel_loop3A_283 = arith.constant 16 : index
        %parallel_loop3A_284 = tpu.vector_load %arg13[%parallel_loop3A_282, %parallel_loop3A_283] {strides = array<i32>} : memref<200x64xf32, #tpu.memory_space<vmem>>, vector<1x16xf32>,
        %parallel_loop3A_285 = vector.shape_cast %parallel_loop3A_284 : vector<1x16xf32> to vector<16xf32>
        %parallel_loop3A_286 = vector.shape_cast %parallel_loop3A_281 : vector<16xf32> to vector<1x16xf32>
        tpu.vector_store %arg13[%parallel_loop3A_282, %parallel_loop3A_283], %parallel_loop3A_286 {strides = array<i32>} : memref<200x64xf32, #tpu.memory_space<vmem>>, vector<1x16xf32>,
        %parallel_loop3A_287 = arith.index_cast %parallel_loop3A_258 : i32 to index
        %parallel_loop3A_288 = arith.constant 32 : index
        %parallel_loop3A_289 = tpu.vector_load %arg13[%parallel_loop3A_287, %parallel_loop3A_288] {strides = array<i32>} : memref<200x64xf32, #tpu.memory_space<vmem>>, vector<1x16xf32>,
        %parallel_loop3A_290 = vector.shape_cast %parallel_loop3A_289 : vector<1x16xf32> to vector<16xf32>
        %parallel_loop3A_291 = arith.index_cast %parallel_loop3A_258 : i32 to index
        %parallel_loop3A_292 = arith.constant 32 : index
        %parallel_loop3A_293 = tpu.vector_load %arg6[%parallel_loop3A_291, %parallel_loop3A_292] {strides = array<i32>} : memref<200x64xf32, #tpu.memory_space<vmem>>, vector<1x16xf32>,
        %parallel_loop3A_294 = vector.shape_cast %parallel_loop3A_293 : vector<1x16xf32> to vector<16xf32>
        %parallel_loop3A_295 = arith.addf %parallel_loop3A_290, %parallel_loop3A_294 : vector<16xf32>
        %parallel_loop3A_296 = arith.index_cast %parallel_loop3A_258 : i32 to index
        %parallel_loop3A_297 = arith.constant 32 : index
        %parallel_loop3A_298 = tpu.vector_load %arg13[%parallel_loop3A_296, %parallel_loop3A_297] {strides = array<i32>} : memref<200x64xf32, #tpu.memory_space<vmem>>, vector<1x16xf32>,
        %parallel_loop3A_299 = vector.shape_cast %parallel_loop3A_298 : vector<1x16xf32> to vector<16xf32>
        %parallel_loop3A_300 = vector.shape_cast %parallel_loop3A_295 : vector<16xf32> to vector<1x16xf32>
        tpu.vector_store %arg13[%parallel_loop3A_296, %parallel_loop3A_297], %parallel_loop3A_300 {strides = array<i32>} : memref<200x64xf32, #tpu.memory_space<vmem>>, vector<1x16xf32>,
        %parallel_loop3A_301 = arith.index_cast %parallel_loop3A_258 : i32 to index
        %parallel_loop3A_302 = arith.constant 48 : index
        %parallel_loop3A_303 = tpu.vector_load %arg13[%parallel_loop3A_301, %parallel_loop3A_302] {strides = array<i32>} : memref<200x64xf32, #tpu.memory_space<vmem>>, vector<1x16xf32>,
        %parallel_loop3A_304 = vector.shape_cast %parallel_loop3A_303 : vector<1x16xf32> to vector<16xf32>
        %parallel_loop3A_305 = arith.index_cast %parallel_loop3A_258 : i32 to index
        %parallel_loop3A_306 = arith.constant 48 : index
        %parallel_loop3A_307 = tpu.vector_load %arg6[%parallel_loop3A_305, %parallel_loop3A_306] {strides = array<i32>} : memref<200x64xf32, #tpu.memory_space<vmem>>, vector<1x16xf32>,
        %parallel_loop3A_308 = vector.shape_cast %parallel_loop3A_307 : vector<1x16xf32> to vector<16xf32>
        %parallel_loop3A_309 = arith.addf %parallel_loop3A_304, %parallel_loop3A_308 : vector<16xf32>
        %parallel_loop3A_310 = arith.index_cast %parallel_loop3A_258 : i32 to index
        %parallel_loop3A_311 = arith.constant 48 : index
        %parallel_loop3A_312 = tpu.vector_load %arg13[%parallel_loop3A_310, %parallel_loop3A_311] {strides = array<i32>} : memref<200x64xf32, #tpu.memory_space<vmem>>, vector<1x16xf32>,
        %parallel_loop3A_313 = vector.shape_cast %parallel_loop3A_312 : vector<1x16xf32> to vector<16xf32>
        %parallel_loop3A_314 = vector.shape_cast %parallel_loop3A_309 : vector<16xf32> to vector<1x16xf32>
        tpu.vector_store %arg13[%parallel_loop3A_310, %parallel_loop3A_311], %parallel_loop3A_314 {strides = array<i32>} : memref<200x64xf32, #tpu.memory_space<vmem>>, vector<1x16xf32>,
      } {sc.loop_unroll_factor = 2 : i64, sc.parallel_access}
      %add3A_213 = arith.addi %mul3A_2, %add3A_183 : i32
      %mul3A_214 = arith.constant 200 : i32
      %mul3A_215 = arith.muli %add3A_213, %mul3A_214 : i32
      %dma_start3A_216 = arith.constant 0 : i32
      %dma_start3A_217 = tpu.memref_slice %arg5[%mul3A_215, %dma_start3A_216] : memref<819200x128xf32, #tpu.memory_space<hbm>> -> memref<200x64xf32, #tpu.memory_space<hbm>>
      %dma_start3A_218 = arith.constant 0 : i32
      %dma_start3A_219 = tpu.memref_slice %arg5[%mul3A_215, %dma_start3A_218] : memref<819200x128xf32, #tpu.memory_space<hbm>> -> memref<200x64xf32, #tpu.memory_space<hbm>>
      tpu.enqueue_dma source(%arg13 : memref<200x64xf32, #tpu.memory_space<vmem>>) target(%dma_start3A_219 : memref<200x64xf32, #tpu.memory_space<hbm>>) target_semaphore(%arg25 : memref<!tpu.dma_semaphore, #tpu.memory_space<semaphore_mem>>)
      %add3A_220 = arith.constant 3 : i32
      %add3A_221 = arith.addi %add3A_109, %add3A_220 : i32
      %lt3A_222 = arith.constant 126 : i32
      %lt3A_223 = arith.cmpi slt, %add3A_221, %lt3A_222 : i32
      %convert_element_type3A_224 = arith.extui %lt3A_223 : i1 to i32
      %cond3A_225 = arith.constant 0 : i32
      %cond3A_226 = arith.cmpi ne, %convert_element_type3A_224, %cond3A_225 : i32
      scf.if %cond3A_226 {
        %dma_wait3A_258 = arith.constant 0 : i32
        %dma_wait3A_259 = tpu.memref_slice %arg3[%mul3A_2, %dma_wait3A_258] : memref<4096x200xi32, #tpu.memory_space<hbm>> -> memref<1x200xi32, #tpu.memory_space<hbm>>
        %dma_wait3A_260 = tpu.memref_squeeze %dma_wait3A_259 : memref<1x200xi32, #tpu.memory_space<hbm>> -> memref<200xi32, #tpu.memory_space<hbm>>
        %dma_wait3A_261 = arith.constant 0 : i32
        %dma_wait3A_262 = tpu.memref_slice %arg3[%mul3A_2, %dma_wait3A_261] : memref<4096x200xi32, #tpu.memory_space<hbm>> -> memref<1x200xi32, #tpu.memory_space<hbm>>
        %dma_wait3A_263 = tpu.memref_squeeze %dma_wait3A_262 : memref<1x200xi32, #tpu.memory_space<hbm>> -> memref<200xi32, #tpu.memory_space<hbm>>
        tpu.wait_dma2 semaphore(%arg16 : memref<!tpu.dma_semaphore, #tpu.memory_space<semaphore_mem>>) src(%dma_wait3A_263 : memref<200xi32, #tpu.memory_space<hbm>>) dst(%arg8 : memref<200xi32, #tpu.memory_space<vmem>>)
        %ge3A = arith.constant 2 : i32
        %ge3A_264 = arith.cmpi sge, %add3A_221, %ge3A : i32
        %convert_element_type3A_265 = arith.extui %ge3A_264 : i1 to i32
        %cond3A_266 = arith.constant 0 : i32
        %cond3A_267 = arith.cmpi ne, %convert_element_type3A_265, %cond3A_266 : i32
        scf.if %cond3A_267 {
          %mul3A_286 = arith.constant 200 : i32
          %mul3A_287 = arith.muli %mul3A_2, %mul3A_286 : i32
          %dma_wait3A_288 = arith.constant 0 : i32
          %dma_wait3A_289 = tpu.memref_slice %arg5[%mul3A_287, %dma_wait3A_288] : memref<819200x128xf32, #tpu.memory_space<hbm>> -> memref<200x64xf32, #tpu.memory_space<hbm>>
          %dma_wait3A_290 = arith.constant 0 : i32
          %dma_wait3A_291 = tpu.memref_slice %arg5[%mul3A_287, %dma_wait3A_290] : memref<819200x128xf32, #tpu.memory_space<hbm>> -> memref<200x64xf32, #tpu.memory_space<hbm>>
          tpu.wait_dma2 semaphore(%arg24 : memref<!tpu.dma_semaphore, #tpu.memory_space<semaphore_mem>>) src(%arg12 : memref<200x64xf32, #tpu.memory_space<vmem>>) dst(%dma_wait3A_291 : memref<200x64xf32, #tpu.memory_space<hbm>>)
        } else {
        }
        %add3A_268 = arith.constant 2 : i32
        %add3A_269 = arith.addi %add3A_221, %add3A_268 : i32
        %dma_start3A_270 = arith.constant 0 : i32
        %dma_start3A_271 = arith.constant 0 : i32
        %dma_start3A_272 = tpu.memref_slice %arg12[%dma_start3A_270, %dma_start3A_271] : memref<200x64xf32, #tpu.memory_space<vmem>> -> memref<104x64xf32, #tpu.memory_space<vmem>>
        %dma_start3A_273 = arith.constant 0 : i32
        %dma_start3A_274 = tpu.memref_slice %arg8[%dma_start3A_273] : memref<200xi32, #tpu.memory_space<vmem>> -> memref<104xi32, #tpu.memory_space<vmem>>
        %dma_start3A_275 = arith.constant 0 : i32
        %dma_start3A_276 = arith.constant 0 : i32
        %dma_start3A_277 = tpu.memref_slice %arg2[%dma_start3A_275, %dma_start3A_276] : memref<1000000x64xf32, #tpu.memory_space<hbm>> -> memref<1000000x64xf32, #tpu.memory_space<hbm>>
        tpu.enqueue_indirect_dma source(%dma_start3A_277 : memref<1000000x64xf32, #tpu.memory_space<hbm>>) target(%dma_start3A_272 : memref<104x64xf32, #tpu.memory_space<vmem>>) offsets(%dma_start3A_274 : memref<104xi32, #tpu.memory_space<vmem>>) semaphore(%arg20 : memref<!tpu.dma_semaphore, #tpu.memory_space<semaphore_mem>>)
        %dma_start3A_278 = arith.constant 104 : i32
        %dma_start3A_279 = arith.constant 0 : i32
        %dma_start3A_280 = tpu.memref_slice %arg12[%dma_start3A_278, %dma_start3A_279] : memref<200x64xf32, #tpu.memory_space<vmem>> -> memref<96x64xf32, #tpu.memory_space<vmem>>
        %dma_start3A_281 = arith.constant 104 : i32
        %dma_start3A_282 = tpu.memref_slice %arg8[%dma_start3A_281] : memref<200xi32, #tpu.memory_space<vmem>> -> memref<96xi32, #tpu.memory_space<vmem>>
        %dma_start3A_283 = arith.constant 0 : i32
        %dma_start3A_284 = arith.constant 0 : i32
        %dma_start3A_285 = tpu.memref_slice %arg2[%dma_start3A_283, %dma_start3A_284] : memref<1000000x64xf32, #tpu.memory_space<hbm>> -> memref<1000000x64xf32, #tpu.memory_space<hbm>>
        tpu.enqueue_indirect_dma source(%dma_start3A_285 : memref<1000000x64xf32, #tpu.memory_space<hbm>>) target(%dma_start3A_280 : memref<96x64xf32, #tpu.memory_space<vmem>>) offsets(%dma_start3A_282 : memref<96xi32, #tpu.memory_space<vmem>>) semaphore(%arg20 : memref<!tpu.dma_semaphore, #tpu.memory_space<semaphore_mem>>)
      } else {
      }
      %dma_wait3A_227 = arith.constant 0 : i32
      %dma_wait3A_228 = arith.constant 0 : i32
      %dma_wait3A_229 = tpu.memref_slice %arg14[%dma_wait3A_227, %dma_wait3A_228] : memref<200x64xf32, #tpu.memory_space<vmem>> -> memref<104x64xf32, #tpu.memory_space<vmem>>
      %dma_wait3A_230 = arith.constant 0 : i32
      %dma_wait3A_231 = tpu.memref_slice %arg10[%dma_wait3A_230] : memref<200xi32, #tpu.memory_space<vmem>> -> memref<104xi32, #tpu.memory_space<vmem>>
      %dma_wait3A_232 = arith.constant 0 : i32
      %dma_wait3A_233 = arith.constant 0 : i32
      %dma_wait3A_234 = tpu.memref_slice %arg2[%dma_wait3A_232, %dma_wait3A_233] : memref<1000000x64xf32, #tpu.memory_space<hbm>> -> memref<1000000x64xf32, #tpu.memory_space<hbm>>
      tpu.wait_indirect_dma semaphore(%arg22 : memref<!tpu.dma_semaphore, #tpu.memory_space<semaphore_mem>>) src(%dma_wait3A_234 : memref<1000000x64xf32, #tpu.memory_space<hbm>>) dst(%dma_wait3A_229 : memref<104x64xf32, #tpu.memory_space<vmem>>)
      %dma_wait3A_235 = arith.constant 104 : i32
      %dma_wait3A_236 = arith.constant 0 : i32
      %dma_wait3A_237 = tpu.memref_slice %arg14[%dma_wait3A_235, %dma_wait3A_236] : memref<200x64xf32, #tpu.memory_space<vmem>> -> memref<96x64xf32, #tpu.memory_space<vmem>>
      %dma_wait3A_238 = arith.constant 104 : i32
      %dma_wait3A_239 = tpu.memref_slice %arg10[%dma_wait3A_238] : memref<200xi32, #tpu.memory_space<vmem>> -> memref<96xi32, #tpu.memory_space<vmem>>
      %dma_wait3A_240 = arith.constant 0 : i32
      %dma_wait3A_241 = arith.constant 0 : i32
      %dma_wait3A_242 = tpu.memref_slice %arg2[%dma_wait3A_240, %dma_wait3A_241] : memref<1000000x64xf32, #tpu.memory_space<hbm>> -> memref<1000000x64xf32, #tpu.memory_space<hbm>>
      tpu.wait_indirect_dma semaphore(%arg22 : memref<!tpu.dma_semaphore, #tpu.memory_space<semaphore_mem>>) src(%dma_wait3A_242 : memref<1000000x64xf32, #tpu.memory_space<hbm>>) dst(%dma_wait3A_237 : memref<96x64xf32, #tpu.memory_space<vmem>>)
      %lt3A_243 = arith.constant 124 : i32
      %lt3A_244 = arith.cmpi slt, %add3A_221, %lt3A_243 : i32
      %convert_element_type3A_245 = arith.extui %lt3A_244 : i1 to i32
      %cond3A_246 = arith.constant 0 : i32
      %cond3A_247 = arith.cmpi ne, %convert_element_type3A_245, %cond3A_246 : i32
      scf.if %cond3A_247 {
        %add3A_258 = arith.constant 4 : i32
        %add3A_259 = arith.addi %add3A_221, %add3A_258 : i32
        %add3A_260 = arith.addi %mul3A_2, %add3A_259 : i32
        %dma_start3A_261 = arith.constant 0 : i32
        %dma_start3A_262 = tpu.memref_slice %arg3[%add3A_260, %dma_start3A_261] : memref<4096x200xi32, #tpu.memory_space<hbm>> -> memref<1x200xi32, #tpu.memory_space<hbm>>
        %dma_start3A_263 = tpu.memref_squeeze %dma_start3A_262 : memref<1x200xi32, #tpu.memory_space<hbm>> -> memref<200xi32, #tpu.memory_space<hbm>>
        %dma_start3A_264 = arith.constant 0 : i32
        %dma_start3A_265 = tpu.memref_slice %arg3[%add3A_260, %dma_start3A_264] : memref<4096x200xi32, #tpu.memory_space<hbm>> -> memref<1x200xi32, #tpu.memory_space<hbm>>
        %dma_start3A_266 = tpu.memref_squeeze %dma_start3A_265 : memref<1x200xi32, #tpu.memory_space<hbm>> -> memref<200xi32, #tpu.memory_space<hbm>>
        tpu.enqueue_dma source(%dma_start3A_266 : memref<200xi32, #tpu.memory_space<hbm>>) target(%arg10 : memref<200xi32, #tpu.memory_space<vmem>>) target_semaphore(%arg18 : memref<!tpu.dma_semaphore, #tpu.memory_space<semaphore_mem>>)
      } else {
      }
      %parallel_loop3A_248 = arith.constant 0 : i32
      %parallel_loop3A_249 = arith.constant 200 : i32
      %parallel_loop3A_250 = arith.constant 1 : i32
      scf.for %parallel_loop3A_258 = %parallel_loop3A_248 to %parallel_loop3A_249 step %parallel_loop3A_250  : i32 {
        %parallel_loop3A_259 = arith.index_cast %parallel_loop3A_258 : i32 to index
        %parallel_loop3A_260 = arith.constant 0 : index
        %parallel_loop3A_261 = tpu.vector_load %arg14[%parallel_loop3A_259, %parallel_loop3A_260] {strides = array<i32>} : memref<200x64xf32, #tpu.memory_space<vmem>>, vector<1x16xf32>,
        %parallel_loop3A_262 = vector.shape_cast %parallel_loop3A_261 : vector<1x16xf32> to vector<16xf32>
        %parallel_loop3A_263 = arith.index_cast %parallel_loop3A_258 : i32 to index
        %parallel_loop3A_264 = arith.constant 0 : index
        %parallel_loop3A_265 = tpu.vector_load %arg6[%parallel_loop3A_263, %parallel_loop3A_264] {strides = array<i32>} : memref<200x64xf32, #tpu.memory_space<vmem>>, vector<1x16xf32>,
        %parallel_loop3A_266 = vector.shape_cast %parallel_loop3A_265 : vector<1x16xf32> to vector<16xf32>
        %parallel_loop3A_267 = arith.addf %parallel_loop3A_262, %parallel_loop3A_266 : vector<16xf32>
        %parallel_loop3A_268 = arith.index_cast %parallel_loop3A_258 : i32 to index
        %parallel_loop3A_269 = arith.constant 0 : index
        %parallel_loop3A_270 = tpu.vector_load %arg14[%parallel_loop3A_268, %parallel_loop3A_269] {strides = array<i32>} : memref<200x64xf32, #tpu.memory_space<vmem>>, vector<1x16xf32>,
        %parallel_loop3A_271 = vector.shape_cast %parallel_loop3A_270 : vector<1x16xf32> to vector<16xf32>
        %parallel_loop3A_272 = vector.shape_cast %parallel_loop3A_267 : vector<16xf32> to vector<1x16xf32>
        tpu.vector_store %arg14[%parallel_loop3A_268, %parallel_loop3A_269], %parallel_loop3A_272 {strides = array<i32>} : memref<200x64xf32, #tpu.memory_space<vmem>>, vector<1x16xf32>,
        %parallel_loop3A_273 = arith.index_cast %parallel_loop3A_258 : i32 to index
        %parallel_loop3A_274 = arith.constant 16 : index
        %parallel_loop3A_275 = tpu.vector_load %arg14[%parallel_loop3A_273, %parallel_loop3A_274] {strides = array<i32>} : memref<200x64xf32, #tpu.memory_space<vmem>>, vector<1x16xf32>,
        %parallel_loop3A_276 = vector.shape_cast %parallel_loop3A_275 : vector<1x16xf32> to vector<16xf32>
        %parallel_loop3A_277 = arith.index_cast %parallel_loop3A_258 : i32 to index
        %parallel_loop3A_278 = arith.constant 16 : index
        %parallel_loop3A_279 = tpu.vector_load %arg6[%parallel_loop3A_277, %parallel_loop3A_278] {strides = array<i32>} : memref<200x64xf32, #tpu.memory_space<vmem>>, vector<1x16xf32>,
        %parallel_loop3A_280 = vector.shape_cast %parallel_loop3A_279 : vector<1x16xf32> to vector<16xf32>
        %parallel_loop3A_281 = arith.addf %parallel_loop3A_276, %parallel_loop3A_280 : vector<16xf32>
        %parallel_loop3A_282 = arith.index_cast %parallel_loop3A_258 : i32 to index
        %parallel_loop3A_283 = arith.constant 16 : index
        %parallel_loop3A_284 = tpu.vector_load %arg14[%parallel_loop3A_282, %parallel_loop3A_283] {strides = array<i32>} : memref<200x64xf32, #tpu.memory_space<vmem>>, vector<1x16xf32>,
        %parallel_loop3A_285 = vector.shape_cast %parallel_loop3A_284 : vector<1x16xf32> to vector<16xf32>
        %parallel_loop3A_286 = vector.shape_cast %parallel_loop3A_281 : vector<16xf32> to vector<1x16xf32>
        tpu.vector_store %arg14[%parallel_loop3A_282, %parallel_loop3A_283], %parallel_loop3A_286 {strides = array<i32>} : memref<200x64xf32, #tpu.memory_space<vmem>>, vector<1x16xf32>,
        %parallel_loop3A_287 = arith.index_cast %parallel_loop3A_258 : i32 to index
        %parallel_loop3A_288 = arith.constant 32 : index
        %parallel_loop3A_289 = tpu.vector_load %arg14[%parallel_loop3A_287, %parallel_loop3A_288] {strides = array<i32>} : memref<200x64xf32, #tpu.memory_space<vmem>>, vector<1x16xf32>,
        %parallel_loop3A_290 = vector.shape_cast %parallel_loop3A_289 : vector<1x16xf32> to vector<16xf32>
        %parallel_loop3A_291 = arith.index_cast %parallel_loop3A_258 : i32 to index
        %parallel_loop3A_292 = arith.constant 32 : index
        %parallel_loop3A_293 = tpu.vector_load %arg6[%parallel_loop3A_291, %parallel_loop3A_292] {strides = array<i32>} : memref<200x64xf32, #tpu.memory_space<vmem>>, vector<1x16xf32>,
        %parallel_loop3A_294 = vector.shape_cast %parallel_loop3A_293 : vector<1x16xf32> to vector<16xf32>
        %parallel_loop3A_295 = arith.addf %parallel_loop3A_290, %parallel_loop3A_294 : vector<16xf32>
        %parallel_loop3A_296 = arith.index_cast %parallel_loop3A_258 : i32 to index
        %parallel_loop3A_297 = arith.constant 32 : index
        %parallel_loop3A_298 = tpu.vector_load %arg14[%parallel_loop3A_296, %parallel_loop3A_297] {strides = array<i32>} : memref<200x64xf32, #tpu.memory_space<vmem>>, vector<1x16xf32>,
        %parallel_loop3A_299 = vector.shape_cast %parallel_loop3A_298 : vector<1x16xf32> to vector<16xf32>
        %parallel_loop3A_300 = vector.shape_cast %parallel_loop3A_295 : vector<16xf32> to vector<1x16xf32>
        tpu.vector_store %arg14[%parallel_loop3A_296, %parallel_loop3A_297], %parallel_loop3A_300 {strides = array<i32>} : memref<200x64xf32, #tpu.memory_space<vmem>>, vector<1x16xf32>,
        %parallel_loop3A_301 = arith.index_cast %parallel_loop3A_258 : i32 to index
        %parallel_loop3A_302 = arith.constant 48 : index
        %parallel_loop3A_303 = tpu.vector_load %arg14[%parallel_loop3A_301, %parallel_loop3A_302] {strides = array<i32>} : memref<200x64xf32, #tpu.memory_space<vmem>>, vector<1x16xf32>,
        %parallel_loop3A_304 = vector.shape_cast %parallel_loop3A_303 : vector<1x16xf32> to vector<16xf32>
        %parallel_loop3A_305 = arith.index_cast %parallel_loop3A_258 : i32 to index
        %parallel_loop3A_306 = arith.constant 48 : index
        %parallel_loop3A_307 = tpu.vector_load %arg6[%parallel_loop3A_305, %parallel_loop3A_306] {strides = array<i32>} : memref<200x64xf32, #tpu.memory_space<vmem>>, vector<1x16xf32>,
        %parallel_loop3A_308 = vector.shape_cast %parallel_loop3A_307 : vector<1x16xf32> to vector<16xf32>
        %parallel_loop3A_309 = arith.addf %parallel_loop3A_304, %parallel_loop3A_308 : vector<16xf32>
        %parallel_loop3A_310 = arith.index_cast %parallel_loop3A_258 : i32 to index
        %parallel_loop3A_311 = arith.constant 48 : index
        %parallel_loop3A_312 = tpu.vector_load %arg14[%parallel_loop3A_310, %parallel_loop3A_311] {strides = array<i32>} : memref<200x64xf32, #tpu.memory_space<vmem>>, vector<1x16xf32>,
        %parallel_loop3A_313 = vector.shape_cast %parallel_loop3A_312 : vector<1x16xf32> to vector<16xf32>
        %parallel_loop3A_314 = vector.shape_cast %parallel_loop3A_309 : vector<16xf32> to vector<1x16xf32>
        tpu.vector_store %arg14[%parallel_loop3A_310, %parallel_loop3A_311], %parallel_loop3A_314 {strides = array<i32>} : memref<200x64xf32, #tpu.memory_space<vmem>>, vector<1x16xf32>,
      } {sc.loop_unroll_factor = 2 : i64, sc.parallel_access}
      %add3A_251 = arith.addi %mul3A_2, %add3A_221 : i32
      %mul3A_252 = arith.constant 200 : i32
      %mul3A_253 = arith.muli %add3A_251, %mul3A_252 : i32
      %dma_start3A_254 = arith.constant 0 : i32
      %dma_start3A_255 = tpu.memref_slice %arg5[%mul3A_253, %dma_start3A_254] : memref<819200x128xf32, #tpu.memory_space<hbm>> -> memref<200x64xf32, #tpu.memory_space<hbm>>
      %dma_start3A_256 = arith.constant 0 : i32
      %dma_start3A_257 = tpu.memref_slice %arg5[%mul3A_253, %dma_start3A_256] : memref<819200x128xf32, #tpu.memory_space<hbm>> -> memref<200x64xf32, #tpu.memory_space<hbm>>
      tpu.enqueue_dma source(%arg14 : memref<200x64xf32, #tpu.memory_space<vmem>>) target(%dma_start3A_257 : memref<200x64xf32, #tpu.memory_space<hbm>>) target_semaphore(%arg26 : memref<!tpu.dma_semaphore, #tpu.memory_space<semaphore_mem>>)
    }
    %scan3A_80 = arith.constant 32 : i32
    %mul3A_81 = arith.constant 200 : i32
    %mul3A_82 = arith.muli %mul3A_2, %mul3A_81 : i32
    %dma_wait3A_83 = arith.constant 0 : i32
    %dma_wait3A_84 = tpu.memref_slice %arg5[%mul3A_82, %dma_wait3A_83] : memref<819200x128xf32, #tpu.memory_space<hbm>> -> memref<200x64xf32, #tpu.memory_space<hbm>>
    %dma_wait3A_85 = arith.constant 0 : i32
    %dma_wait3A_86 = tpu.memref_slice %arg5[%mul3A_82, %dma_wait3A_85] : memref<819200x128xf32, #tpu.memory_space<hbm>> -> memref<200x64xf32, #tpu.memory_space<hbm>>
    tpu.wait_dma2 semaphore(%arg23 : memref<!tpu.dma_semaphore, #tpu.memory_space<semaphore_mem>>) src(%arg11 : memref<200x64xf32, #tpu.memory_space<vmem>>) dst(%dma_wait3A_86 : memref<200x64xf32, #tpu.memory_space<hbm>>)
    %mul3A_87 = arith.constant 200 : i32
    %mul3A_88 = arith.muli %mul3A_2, %mul3A_87 : i32
    %dma_wait3A_89 = arith.constant 0 : i32
    %dma_wait3A_90 = tpu.memref_slice %arg5[%mul3A_88, %dma_wait3A_89] : memref<819200x128xf32, #tpu.memory_space<hbm>> -> memref<200x64xf32, #tpu.memory_space<hbm>>
    %dma_wait3A_91 = arith.constant 0 : i32
    %dma_wait3A_92 = tpu.memref_slice %arg5[%mul3A_88, %dma_wait3A_91] : memref<819200x128xf32, #tpu.memory_space<hbm>> -> memref<200x64xf32, #tpu.memory_space<hbm>>
    tpu.wait_dma2 semaphore(%arg24 : memref<!tpu.dma_semaphore, #tpu.memory_space<semaphore_mem>>) src(%arg12 : memref<200x64xf32, #tpu.memory_space<vmem>>) dst(%dma_wait3A_92 : memref<200x64xf32, #tpu.memory_space<hbm>>)
    %mul3A_93 = arith.constant 200 : i32
    %mul3A_94 = arith.muli %mul3A_2, %mul3A_93 : i32
    %dma_wait3A_95 = arith.constant 0 : i32
    %dma_wait3A_96 = tpu.memref_slice %arg5[%mul3A_94, %dma_wait3A_95] : memref<819200x128xf32, #tpu.memory_space<hbm>> -> memref<200x64xf32, #tpu.memory_space<hbm>>
    %dma_wait3A_97 = arith.constant 0 : i32
    %dma_wait3A_98 = tpu.memref_slice %arg5[%mul3A_94, %dma_wait3A_97] : memref<819200x128xf32, #tpu.memory_space<hbm>> -> memref<200x64xf32, #tpu.memory_space<hbm>>
    tpu.wait_dma2 semaphore(%arg25 : memref<!tpu.dma_semaphore, #tpu.memory_space<semaphore_mem>>) src(%arg13 : memref<200x64xf32, #tpu.memory_space<vmem>>) dst(%dma_wait3A_98 : memref<200x64xf32, #tpu.memory_space<hbm>>)
    %mul3A_99 = arith.constant 200 : i32
    %mul3A_100 = arith.muli %mul3A_2, %mul3A_99 : i32
    %dma_wait3A_101 = arith.constant 0 : i32
    %dma_wait3A_102 = tpu.memref_slice %arg5[%mul3A_100, %dma_wait3A_101] : memref<819200x128xf32, #tpu.memory_space<hbm>> -> memref<200x64xf32, #tpu.memory_space<hbm>>
    %dma_wait3A_103 = arith.constant 0 : i32
    %dma_wait3A_104 = tpu.memref_slice %arg5[%mul3A_100, %dma_wait3A_103] : memref<819200x128xf32, #tpu.memory_space<hbm>> -> memref<200x64xf32, #tpu.memory_space<hbm>>
    tpu.wait_dma2 semaphore(%arg26 : memref<!tpu.dma_semaphore, #tpu.memory_space<semaphore_mem>>) src(%arg14 : memref<200x64xf32, #tpu.memory_space<vmem>>) dst(%dma_wait3A_104 : memref<200x64xf32, #tpu.memory_space<hbm>>)
    return
  }
}

</mosaic_0001>

<sc_bundles>
// kernel: kernel.3.cloned.1.call-start
scs
__scs_entry_jumppad:
0x0: {  	(pc) =	sbr.rel $0x88, $3  }
0x1: {  	(tag) =	ssettag $0x0;
	lr =	simm.s32 $0x1  }
0x2: {  	[smem:$0x3F9E] =	sst lr;
	_ =	strace $0xD0000000  }
0x3: {  	_ = 	snop  }
0x4: {  	_ = 	snop  }
0x5: {  	_ = 	snop  }
0x6: {  	_ = 	snop  }
0x7: {  	_ = 	snop  }
__scs_overlays_trampoline_lowered:
0x8: {  	[smem:$0x3FAD] =	sst s0  }
0x9: {  	[smem:$0x3FAE] =	sst s1  }
0xa: {  	[smem:$0x3FAF] =	sst s2  }
0xb: {  	[smem:$0x3FB0] =	sst s3  }
0xc: {  	[smem:$0x3FB1] =	sst s4  }
0xd: {  	[smem:$0x3FB2] =	sst s5  }
0xe: {  	[smem:$0x3FB3] =	sst s6  }
0xf: {  	[smem:$0x3FB4] =	sst s7  }
0x10: {  	[smem:$0x3FB5] =	sst s8  }
0x11: {  	[smem:$0x3FB6] =	sst s9;
	s0 =	simm.s32 @!p0 $0x0  }
0x12: {  	s1 =	sld [smem:$0x3F9C];
	s0 =	simm.s32 @p0 $0x1  }
0x13: {  	[smem:$0x3FB7] =	sst s0;
	s0 =	simm.s32 @!p1 $0x0  }
0x14: {  	s2 =	sld [smem:$0x3F9B];
	s0 =	simm.s32 @p1 $0x1  }
0x15: {  	[smem:$0x3FB8] =	sst s0;
	s0 =	simm.s32 @!p2 $0x0  }
0x16: {  	s3 =	sld [smem:$0x3FDB];
	s0 =	simm.s32 @p2 $0x1  }
0x17: {  	s4 =	simm.s32 $0x1BF5;
	[smem:$0x3FBA] =	sst s0  }
0x18: {  	s0 =	sld [smem:$0x3F9D];
	_ =	swait.ge [sflag:s4], $0x0  }
0x19: {  	s7 =	sld [smem:$0x3F9E]  }
0x1a: {  	s8 =	sadd.s32 $0xFFFFE003, lr  }
0x1b: {  	s9 =	sadd.s32 $0xFFFFFEF7, lr;
	s5 =	simm.s32 $0xFFFFFFFF;
	p2 =	slt.u32 s8, $0xFFFFF086  }
0x1c: {  	p1 =	slt.u32 s9, $0xF7A;
	s5 =	simm.s32 @!p2 $0x0  }
0x1d: {  	s5 =	simm.s32 @p1 $0x1;
	p0 =	seq.s32 s7, s2  }
0x1e: {  	s7 =	smul.u32 @!p0 $0xF7A, s2;
	p2 =	seq.s32 @!p0 s5, $0x0  }
0x1f: {  	s9 =	smul.u32 $0xF7A, s1;
	s8 =	simm.s32 @!p0 $0x1BF5;
	p2 =	por !p2, p0  }
0x20: {  	[sflag:s8] =	ssyncset.s32 @!p0 $0xFFFFF086;
	s6 =	sadd.s32 @!p0 s3, s7;
	s7 =	simm.s32 @!p0 $0x108  }
0x21: {  	s3 =	sadd.s32 s3, s9;
	s6 =	sadd.s32 @!p0 $0x88, s6;
	s7 =	simm.s32 @p2 $0x1082  }
0x22: {  	[simem:s7], [sflag:s8] =	dma.local @!p0 [hbm:s6], $0xF7A  }
0x23: {  	s9 =	sor.u32 $0xD0000000, s2;
	s6 =	simm.s32 $0x108;
	_ =	swait.ge @!p0 [sflag:s8], $0x0  }
0x24: {  	s3 =	sadd.s32 $0x88, s3;
	s6 =	simm.s32 @!p1 $0x1082;
	[sflag:s4] =	ssyncset.s32 $0xFFFFF086  }
0x25: {  	[simem:s6], [sflag:s4] =	dma.local [hbm:s3], $0xF7A  }
0x26: {  	[smem:$0x3F9E] =	sst s1;
	(tag) =	ssettag s2;
	_ =	strace s9  }
0x27: {  	s1 =	sld [smem:$0x3FAE]  }
0x28: {  	s2 =	sld [smem:$0x3FAF]  }
0x29: {  	s4 =	sld [smem:$0x3FB1]  }
0x2a: {  	p0 =	seq.s32 s5, $0x0;
	s5 =	sld [smem:$0x3FB2]  }
0x2b: {  	s6 =	sld [smem:$0x3FB3]  }
0x2c: {  	s7 =	sld [smem:$0x3FB4]  }
0x2d: {  	s3 =	simm.s32 $0x108;
	s8 =	sld [smem:$0x3FB5]  }
0x2e: {  	s3 =	simm.s32 @!p0 $0x1082;
	s9 =	sld [smem:$0x3FB6]  }
0x2f: {  	lr =	sadd.s32 s0, s3;
	s0 =	sld [smem:$0x3FAD]  }
0x30: {  	s3 =	sld [smem:$0x3FB0]  }
0x31: {  	[smem:$0x3FB9] =	sst s10  }
0x32: {  	s10 =	sld [smem:$0x3FB7];
	_ =	sdelay $0x3  }
0x33: {  	p0 =	seq.s32 s10, $0x1;
	s10 =	sld [smem:$0x3FB9];
	_ =	sdelay $0x3  }
0x34: {  	[smem:$0x3FB9] =	sst s10  }
0x35: {  	s10 =	sld [smem:$0x3FB8];
	_ =	sdelay $0x3  }
0x36: {  	p1 =	seq.s32 s10, $0x1;
	s10 =	sld [smem:$0x3FB9];
	_ =	sdelay $0x3  }
0x37: {  	[smem:$0x3FB9] =	sst s10  }
0x38: {  	s10 =	sld [smem:$0x3FBA]  }
0x39: {  	_ = 	snop;
	(pc) =	sbr.ind lr, $3  }
0x3a: {  	_ = 	snop  }
0x3b: {  	_ = 	snop  }
0x3c: {  	p2 =	seq.s32 s10, $0x1;
	s10 =	sld [smem:$0x3FB9]  }
0x3d: {  	_ =	shalt  }
0x3e: {  	_ =	shalt  }
0x3f: {  	_ =	shalt  }
0x40: {  	_ =	shalt  }
0x41: {  	_ =	shalt  }
0x42: {  	_ =	shalt  }
0x43: {  	_ =	shalt  }
0x44: {  	_ =	shalt  }
0x45: {  	_ =	shalt  }
0x46: {  	_ =	shalt  }
0x47: {  	_ =	shalt  }
0x48: {  	_ =	shalt  }
0x49: {  	_ =	shalt  }
0x4a: {  	_ =	shalt  }
0x4b: {  	_ =	shalt  }
0x4c: {  	_ =	shalt  }
0x4d: {  	_ =	shalt  }
0x4e: {  	_ =	shalt  }
0x4f: {  	_ =	shalt  }
0x50: {  	_ =	shalt  }
0x51: {  	_ =	shalt  }
0x52: {  	_ =	shalt  }
0x53: {  	_ =	shalt  }
0x54: {  	_ =	shalt  }
0x55: {  	_ =	shalt  }
0x56: {  	_ =	shalt  }
0x57: {  	_ =	shalt  }
0x58: {  	_ =	shalt  }
0x59: {  	_ =	shalt  }
0x5a: {  	_ =	shalt  }
0x5b: {  	_ =	shalt  }
0x5c: {  	_ =	shalt  }
0x5d: {  	_ =	shalt  }
0x5e: {  	_ =	shalt  }
0x5f: {  	_ =	shalt  }
0x60: {  	_ =	shalt  }
0x61: {  	_ =	shalt  }
0x62: {  	_ =	shalt  }
0x63: {  	_ =	shalt  }
0x64: {  	_ =	shalt  }
0x65: {  	_ =	shalt  }
0x66: {  	_ =	shalt  }
0x67: {  	_ =	shalt  }
0x68: {  	_ =	shalt  }
0x69: {  	_ =	shalt  }
0x6a: {  	_ =	shalt  }
0x6b: {  	_ =	shalt  }
0x6c: {  	_ =	shalt  }
0x6d: {  	_ =	shalt  }
0x6e: {  	_ =	shalt  }
0x6f: {  	_ =	shalt  }
0x70: {  	_ =	shalt  }
0x71: {  	_ =	shalt  }
0x72: {  	_ =	shalt  }
0x73: {  	_ =	shalt  }
0x74: {  	_ =	shalt  }
0x75: {  	_ =	shalt  }
0x76: {  	_ =	shalt  }
0x77: {  	_ =	shalt  }
0x78: {  	_ =	shalt  }
0x79: {  	_ =	shalt  }
0x7a: {  	_ =	shalt  }
0x7b: {  	_ =	shalt  }
0x7c: {  	_ =	shalt  }
0x7d: {  	_ =	shalt  }
0x7e: {  	_ =	shalt  }
0x7f: {  	_ =	shalt  }
0x80: {  	_ =	shalt  }
0x81: {  	_ =	shalt  }
0x82: {  	_ =	shalt  }
0x83: {  	_ =	shalt  }
0x84: {  	_ =	shalt  }
0x85: {  	_ =	shalt  }
0x86: {  	_ =	shalt  }
0x87: {  	_ =	shalt  }
.Lfunc_end0:
.L_simem_size_0:
called_computation.1_lowered:
.L_overlay_start_0:
0x88: {  	s2 =	sld [smem:$0x3FD9]  }
0x89: {  	s3 =	sld [smem:$0x3FFE];
	_ =	sdelay $0x1  }
0x8a: {  	s1 =	srdreg.scid  }
0x8b: {  	s0 =	sand.u32 $0x1, s1  }
0x8c: {  	s17 =	sshll.u32 s0, $0xA;
	s2 =	sadd.s32 s3, s2  }
0x8d: {  	s2 =	sadd.s32 s2, s17  }
0x8e: {  	[smem:$0x3FC5] =	sst s2  }
0x8f: {  	_ = 	snop  }
0x90: {  	s2 =	sld [smem:$0x3FD0];
	(tm) =	ssettm $0x1  }
0x91: {  	s18 =	sld [smem:$0x3FFB];
	_ =	sdelay $0x3  }
0x92: {  	_ =	strace s18  }
0x93: {  	s3 =	sld [smem:$0x3FFC];
	_ =	sdelay $0x3  }
0x94: {  	_ =	strace s3  }
0x95: {  	s3 =	sld [smem:$0x3FFD];
	_ =	sdelay $0x3  }
0x96: {  	_ =	strace s3  }
0x97: {  	_ =	strace $0x8FFFFFFF  }
0x98: {  	s19 =	sld [smem:$0x3FDB];
	_ =	sdelay $0x1  }
0x99: {  	s4 =	simm.s32 $_scs_section_size  }
0x9a: {  	s5 =	simm.s32 $_size__tile_overlayer_lowered;
	s6 =	simm.s32 $_tile_overlayer_lowered  }
0x9b: {  	s22 =	simm.s32 $0x1BFF;
	s21 =	sshll.u32 s6, $0x1;
	s3 =	sadd.s32 s4, s19  }
0x9c: {  	s7 =	simm.s32 $0x0;
	s20 =	sshll.u32 s5, $0x1;
	s5 =	sadd.s32 s21, s3  }
0x9d: {  	[timem:s7], [sflag:s22] =	dma.local [hbm:s5], s20  }
0x9e: {  	_ =	swait.ge [sflag:s22], s20  }
0x9f: {  	s4 =	ssub.s32 $0x0, s20;
	[sflag:s22] =	ssyncset.done $0x0  }
0xa0: {  	[sflag:s22] =	ssyncadd.s32 s4;
	_ =	sdelay $0x1  }
0xa1: {  	s23 =	simm.s32 $0x1B8B  }
0xa2: {  	_ =	swait.ge [sflag:s23], $0x1  }
0xa3: {  	[sflag:s23] =	ssyncset.done $0x0  }
0xa4: {  	s25 =	simm.s32 $0x1B8E;
	s24 =	sld [smem:$0x3FFE];
	[sflag:s23] =	ssyncadd.s32 $0xFFFFFFFF  }
0xa5: {  	s26 =	simm.s32 $execute0_lowered;
	[smem:$0x3FD2] =	sst s25  }
0xa6: {  	s5 =	sshll.u32 s26, $0x1;
	_ =	strace $0x80000046;
	[dreg:$0x1] =	wrdreg $0xFFFFFFFF  }
0xa7: {  	s28 =	simm.s32 $_size_execute0_lowered;
	s3 =	sadd.s32 s3, s5;
	[dreg:$0x0] =	wrdreg $0x0  }
0xa8: {  	s5 =	sshll.u32 s28, $0x1;
	[dreg:$0x2] =	wrdreg s3  }
0xa9: {  	[dreg:$0x3] =	wrdreg s5  }
0xaa: {  	[dreg:$0x4] =	wrdreg $0xC0  }
0xab: {  	_ =	task [dreg:s7], $0x5FFFF  }
0xac: {  	[dreg:$0x1] =	wrdreg $0xFFFFFFFF  }
0xad: {  	[dreg:$0x0] =	wrdreg $0x60  }
0xae: {  	[dreg:$0x2] =	wrdreg s24  }
0xaf: {  	[dreg:$0x3] =	wrdreg s2  }
0xb0: {  	[dreg:$0x4] =	wrdreg $0x9  }
0xb1: {  	_ =	task.clear_ibuf [dreg:s7], $0x5FFFF;
	_ =	strace $0x90000046  }
0xb2: {  	s29 =	simm.s32 $0x9;
	_ =	strace $0x80000048  }
0xb3: {  	_ =	swait.ge [sflag:s29], $0x1  }
0xb4: {  	[sflag:s29] =	ssyncadd.s32 $0xFFFFFFFF  }
0xb5: {  	_ =	strace $0x90000048  }
0xb6: {  	_ =	sfence  }
0xb7: {  	s30 =	sld [smem:$0x0];
	_ =	sdelay $0x2  }
0xb8: {  	s31 =	sshll.u32 s1, $0xD;
	s1 =	sshrl.u32 s1, $0x2  }
0xb9: {  	s3 =	sand.u32 $0x4000, s31;
	s1 =	sadd.s32 s1, s30  }
0xba: {  	s0 =	sor.u32 s3, s0;
	s1 =	sshll.u32 s1, $0x11  }
0xbb: {  	s0 =	sor.u32 s1, s0  }
0xbc: {  	s0 =	sadd.s32 $0x8F2B, s0  }
0xbd: {  	[sflag:s0] =	ssyncadd.remote.s32 $0x1  }
0xbe: {  	_ =	sfence.sel $0xFFFF  }
0xbf: {  	[dreg:$0x0] =	wrdreg $0xFFFFFFFF;
	(pc) =	sbr.abs _section_cstart, $3  }
0xc0: {  	[dreg:$0x1] =	wrdreg $0xFFFFFFFF  }
0xc1: {  	_ =	task.clear_ibuf [dreg:s7], $0x2FFFF;
	_ =	strace $0x9FFFFFFF  }
0xc2: {  	(tm) =	ssettm $0x7FFFFFFF  }
0xc3: {  	_ =	shalt  }
tec
execute0_lowered:
.L_overlay_start_1:
0x0: {  	(tag) =	ssettag $0x1  }
0x1: {  	s0 =	rddreg [dreg:$0x0]  }
0x2: {  	s2 =	rddreg [dreg:$0x1];
	s1 =	srdreg.scid  }
0x3: {  	s3 =	stileid.u32;
	s5 =	simm.s32 $0x0;
	s23 =	simm.s32 $0x68  }
0x4: {  	s24 =	simm.s32 $0x3520;
	s25 =	simm.s32 $0x60;
	s30 =	simm.s32 $0x6720  }
0x5: {  	s18 =	simm.s32 $0x80;
	s19 =	simm.s32 $0x4;
	s9 =	simm.s32 $0xCB20  }
0x6: {  	s16 =	simm.s32 $0x6;
	s8 =	simm.s32 $0x7;
	s17 =	simm.s32 $0x8  }
0x7: {  	s11 =	simm.s32 $0x0;
	s1 =	sand.u32 $0x1, s1;
	s3 =	sshll.u32 s3, $0x8  }
0x8: {  	[smem:$0x7FF] =	sst s5;
	s5 =	sadd.s32 $0xF43000, s0;
	s6 =	sadd.s32 $0xC00, s0  }
0x9: {  	s7 =	sadd.s32 $0x1400, s0;
	s4 =	sshll.u32 s1, $0x7;
	s1 =	ssub.s32 $0x2, s1  }
0xa: {  	_ =	strace $0x80000047;
	s4 =	sor.u32 s4, s3;
	s26 =	sshrl.u32 s1, $0x1  }
0xb: {  	[dreg:$0x3] =	wrdreg s6;
	s3 =	smul.u32 $0x19, s4;
	s28 =	ssub.s32 s1, s26  }
0xc: {  	s6 =	simm.s32 $0x40;
	s12 =	sor.u32 $0x4, s4;
	s0 =	smax.u32 s28, $0x1  }
0xd: {  	s13 =	sor.u32 $0x5, s4;
	s29 =	sadd.s32 s2, s3;
	[dreg:$0x8] =	wrdreg s0  }
0xe: {  	s14 =	sor.u32 $0x6, s4;
	s3 =	sadd.s32 $0x19, s29;
	[dreg:$0x4] =	wrdreg s29  }
0xf: {  	s15 =	sor.u32 $0x7, s4;
	s31 =	sadd.s32 $0x32, s29;
	[dreg:$0x5] =	wrdreg s3  }
0x10: {  	s26 =	simm.s32 $0x9920;
	s1 =	sadd.s32 $0x4B, s29;
	[dreg:$0x6] =	wrdreg s31  }
0x11: {  	s0 =	simm.s32 $0x5;
	[dreg:$0x7] =	wrdreg s1;
	s1 =	simm.s32 $0x3  }
.LBB2_1:
0x12: {  	[dreg:$0x9] =	wrdreg s11  }
0x13: {  	s3 =	simm.s32 $0x0;
	s10 =	rddreg [dreg:$0x3];
	s11 =	simm.s32 $0xD  }
0x14: {  	[tilespmem:s3], [sflag:$0xD] =	stream.linear.gather [hbm4b:s10+s3], $0x3200, $0x38;
	[tilespmem:$0xFD20] =	vst v63  }
0x15: {  	_ =	swait.ge [sflag:s11], $0x3200  }
0x16: {  	[sflag:s11] =	ssyncset.done $0x0  }
0x17: {  	s20 =	rddreg [dreg:$0x4];
	[sflag:s11] =	ssyncadd.s32 $0xFFFFCE00;
	s11 =	simm.s32 $0x3200  }
0x18: {  	[tilespmem:s11], [sflag:$0x1] =	stream.linear.gather [hbm4b:s20+s3], $0xC8, $0x38;
	[tilespmem:$0xFD20] =	vst v63  }
0x19: {  	s21 =	rddreg [dreg:$0x5];
	s20 =	simm.s32 $0x32C8  }
0x1a: {  	[tilespmem:s20], [sflag:$0x2] =	stream.linear.gather [hbm4b:s21+s3], $0xC8, $0x38;
	[tilespmem:$0xFD20] =	vst v63  }
0x1b: {  	s22 =	rddreg [dreg:$0x6];
	s21 =	simm.s32 $0x3390  }
0x1c: {  	[tilespmem:s21], [sflag:$0x3] =	stream.linear.gather [hbm4b:s22+s3], $0xC8, $0x38;
	[tilespmem:$0xFD20] =	vst v63  }
0x1d: {  	s31 =	simm.s32 $0x3458;
	s10 =	simm.s32 $0x1;
	s28 =	rddreg [dreg:$0x7]  }
0x1e: {  	[tilespmem:s31], [sflag:$0x4] =	stream.linear.gather [hbm4b:s28+s3], $0xC8, $0x38;
	[tilespmem:$0xFD20] =	vst v63  }
0x1f: {  	_ =	swait.ge [sflag:s10], $0xC8  }
0x20: {  	[sflag:s10] =	ssyncset.done $0x0  }
0x21: {  	[sflag:s10] =	ssyncadd.s32 $0xFFFFFF38  }
0x22: {  	[tilespmem:s24], [sflag:$0x5] =	stream.indirect.gather [hbm4b:s5+s23], $0x40, s11, s23, $0xb8;
	[tilespmem:$0xFD20] =	vst v63  }
0x23: {  	s21 =	simm.s32 $0x4F20;
	s22 =	simm.s32 $0x2;
	s11 =	simm.s32 $0x3268  }
0x24: {  	[tilespmem:s21], [sflag:$0x5] =	stream.indirect.gather [hbm4b:s5+s25], $0x40, s11, s25, $0xb8;
	[tilespmem:$0xFD20] =	vst v63  }
0x25: {  	_ =	swait.ge [sflag:s22], $0xC8  }
0x26: {  	[sflag:s22] =	ssyncset.done $0x0  }
0x27: {  	[sflag:s22] =	ssyncadd.s32 $0xFFFFFF38  }
0x28: {  	[tilespmem:s30], [sflag:$0x6] =	stream.indirect.gather [hbm4b:s5+s23], $0x40, s20, s23, $0xb8;
	[tilespmem:$0xFD20] =	vst v63  }
0x29: {  	s29 =	simm.s32 $0x0;
	s28 =	simm.s32 $0x3330;
	s31 =	simm.s32 $0x8120  }
0x2a: {  	[tilespmem:s31], [sflag:$0x6] =	stream.indirect.gather [hbm4b:s5+s25], $0x40, s28, s25, $0xb8;
	[tilespmem:$0xFD20] =	vst v63  }
.LBB2_2:
0x2b: {  	_ =	swait.ge [sflag:s1], $0xC8  }
0x2c: {  	p1 =	seq.s32 s29, $0x0;
	[sflag:s1] =	ssyncset.done $0x0  }
0x2d: {  	s3 =	simm.s32 @!p1 $0xB;
	[sflag:s1] =	ssyncadd.s32 $0xFFFFFF38  }
0x2e: {  	_ =	swait.ge @!p1 [sflag:s3], $0x3200  }
0x2f: {  	[sflag:s3] =	ssyncset.done @!p1 $0x0  }
0x30: {  	s11 =	simm.s32 $0x3390;
	[sflag:s3] =	ssyncadd.s32 @!p1 $0xFFFFCE00  }
0x31: {  	[tilespmem:s26], [sflag:$0x7] =	stream.indirect.gather [hbm4b:s5+s23], $0x40, s11, s23, $0xb8;
	[tilespmem:$0xFD20] =	vst v63  }
0x32: {  	s20 =	simm.s32 $0x33F8;
	s10 =	simm.s32 $0xB320  }
0x33: {  	[tilespmem:s10], [sflag:$0x7] =	stream.indirect.gather [hbm4b:s5+s25], $0x40, s20, s25, $0xb8;
	[tilespmem:$0xFD20] =	vst v63  }
0x34: {  	_ =	swait.ge [sflag:s0], $0x1A00  }
0x35: {  	p0 =	seq.s32 s29, $0x1F;
	s3 =	sshll.u32 s29, $0x2;
	[sflag:s0] =	ssyncset.done $0x0  }
0x36: {  	s10 =	sadd.s32 @!p0 s3, s12;
	[sflag:s0] =	ssyncadd.s32 $0xFFFFE600  }
0x37: {  	s10 =	smul.u32 @!p0 $0x19, s10;
	_ =	swait.ge [sflag:s0], $0x1800  }
0x38: {  	s22 =	simm.s32 $0x3560;
	s11 =	simm.s32 @!p0 $0x0;
	[sflag:s0] =	ssyncset.done $0x0  }
0x39: {  	s20 =	simm.s32 @!p0 $0x3200;
	s10 =	sadd.s32 @!p0 s2, s10;
	[sflag:s0] =	ssyncadd.s32 $0xFFFFE800  }
0x3a: {  	[tilespmem:s20], [sflag:$0x1] =	stream.linear.gather @!p0 [hbm4b:s10+s11], $0xC8, $0x38;
	[tilespmem:$0xFD20] =	vst v63  }
0x3b: {  	s21 =	simm.s32 $0x40;
	v0 =	vld [tilespmem:s22+$0x0]  }
0x3c: {  	v1 =	vld [tilespmem:s21+$0x0];
	_ =	sdelay $0x1  }
0x3d: {  	v2 =	vld [tilespmem:s21+$0xFFFFFFC0]  }
0x3e: {  	v3 =	vld [tilespmem:s22+$0xFFFFFFC0];
	_ =	sdelay $0x1  }
0x3f: {  	v0 =	vadd.f32 v1, v0;
	_ =	sdelay $0x1  }
0x40: {  	[tilespmem:s22+$0x0] =	vst v0;
	v0 =	vld [tilespmem:s22+$0x10]  }
0x41: {  	v1 =	vadd.f32 v2, v3;
	v2 =	vld [tilespmem:s21+$0x10]  }
0x42: {  	v4 =	vld [tilespmem:s22+$0xFFFFFFE0]  }
0x43: {  	v5 =	vld [tilespmem:s22+$0x20]  }
0x44: {  	v3 =	vld [tilespmem:s22+$0xFFFFFFD0];
	[tilespmem:s22+$0xFFFFFFC0] =	vst v1  }
0x45: {  	s28 =	simm.s32 $0x35E0;
	v1 =	vld [tilespmem:s21+$0xFFFFFFD0]  }
0x46: {  	s31 =	simm.s32 $0xC0;
	v6 =	vld [tilespmem:s28+$0x0];
	v0 =	vadd.f32 v2, v0  }
0x47: {  	v7 =	vld [tilespmem:s31+$0x0]  }
0x48: {  	v9 =	vld [tilespmem:s31+$0xFFFFFFC0];
	[tilespmem:s22+$0x10] =	vst v0  }
0x49: {  	v8 =	vld [tilespmem:s21+$0x20]  }
0x4a: {  	v1 =	vadd.f32 v1, v3;
	v3 =	vld [tilespmem:s28+$0xFFFFFFC0]  }
0x4b: {  	v2 =	vld [tilespmem:s28+$0xFFFFFFD0]  }
0x4c: {  	v0 =	vld [tilespmem:s22+$0xFFFFFFF0];
	[tilespmem:s22+$0xFFFFFFD0] =	vst v1;
	v1 =	vadd.f32 v7, v6  }
0x4d: {  	v6 =	vld [tilespmem:s21+$0xFFFFFFE0]  }
0x4e: {  	v7 =	vld [tilespmem:s22+$0x30];
	[tilespmem:s28+$0x0] =	vst v1;
	v5 =	vadd.f32 v8, v5  }
0x4f: {  	v1 =	vadd.f32 v9, v3;
	v9 =	vld [tilespmem:s31+$0x10]  }
0x50: {  	v8 =	vld [tilespmem:s28+$0x10];
	[tilespmem:s22+$0x20] =	vst v5  }
0x51: {  	v10 =	vld [tilespmem:s21+$0x30]  }
0x52: {  	v3 =	vld [tilespmem:s28+$0xFFFFFFF0];
	[tilespmem:s28+$0xFFFFFFC0] =	vst v1;
	v4 =	vadd.f32 v6, v4  }
0x53: {  	v6 =	vld [tilespmem:s31+$0xFFFFFFD0]  }
0x54: {  	v1 =	vld [tilespmem:s28+$0xFFFFFFE0];
	[tilespmem:s22+$0xFFFFFFE0] =	vst v4  }
0x55: {  	v4 =	vld [tilespmem:s21+$0xFFFFFFF0];
	v8 =	vadd.f32 v9, v8  }
0x56: {  	s11 =	simm.s32 $0x2;
	s20 =	simm.s32 $0x3660;
	s10 =	simm.s32 $0xC0;
	v5 =	vld [tilespmem:s28+$0x20];
	v7 =	vadd.f32 v10, v7  }
.LBB2_3:
0x57: {  	v9 =	vld [tilespmem:s20+$0x0];
	[tilespmem:s28+$0x10] =	vst v8;
	s31 =	sadd.s32 $0x80, s31  }
0x58: {  	v8 =	vld [tilespmem:s31+$0x0];
	v2 =	vadd.f32 v6, v2;
	[tilespmem:s22+$0x30] =	vst v7  }
0x59: {  	s11 =	sadd.s32 $0x2, s11;
	v6 =	vld [tilespmem:s10+$0x20]  }
0x5a: {  	p2 =	slt.u32 s11, $0xC6;
	v7 =	vld [tilespmem:s31+$0xFFFFFFC0];
	[tilespmem:s28+$0xFFFFFFD0] =	vst v2;
	v4 =	vadd.f32 v4, v0;
	v0 =	vmov v3  }
0x5b: {  	v3 =	vld [tilespmem:s20+$0xFFFFFFC0]  }
0x5c: {  	v2 =	vld [tilespmem:s20+$0xFFFFFFD0];
	[tilespmem:s22+$0xFFFFFFF0] =	vst v4;
	s22 =	smov.u32 s28;
	s28 =	smov.u32 s20  }
0x5d: {  	v4 =	vadd.f32 v8, v9;
	v8 =	vld [tilespmem:s10+$0xFFFFFFE0]  }
0x5e: {  	v5 =	vadd.f32 v6, v5;
	v9 =	vld [tilespmem:s22+$0x30]  }
0x5f: {  	[tilespmem:s20+$0x0] =	vst v4;
	v4 =	vld [tilespmem:s20+$0x10]  }
0x60: {  	v3 =	vadd.f32 v7, v3;
	v7 =	vld [tilespmem:s31+$0x10];
	[tilespmem:s22+$0x20] =	vst v5  }
0x61: {  	v10 =	vld [tilespmem:s10+$0x30]  }
.Ltmp0:
0x62: {  	[tilespmem:s20+$0xFFFFFFC0] =	vst v3;
	v5 =	vadd.f32 v8, v1;
	v1 =	vld [tilespmem:s20+$0xFFFFFFE0];
	(pc) =	sbr.rel @p2 .LBB2_3-.Ltmp0, $4  }
0x63: {  	v6 =	vld [tilespmem:s31+$0xFFFFFFD0]  }
0x64: {  	v3 =	vld [tilespmem:s20+$0xFFFFFFF0];
	[tilespmem:s22+$0xFFFFFFE0] =	vst v5  }
0x65: {  	v8 =	vadd.f32 v7, v4;
	v4 =	vld [tilespmem:s10+$0xFFFFFFF0];
	s10 =	smov.u32 s31  }
0x66: {  	s20 =	sadd.s32 $0x80, s20;
	v5 =	vld [tilespmem:s28+$0x20];
	v7 =	vadd.f32 v10, v9  }
0x67: {  	_ = 	snop  }
0x68: {  	v2 =	vadd.f32 v6, v2  }
0x69: {  	[tilespmem:s28+$0x10] =	vst v8  }
0x6a: {  	v6 =	vld [tilespmem:s10+$0x20];
	[tilespmem:s28+$0xFFFFFFD0] =	vst v2  }
0x6b: {  	v2 =	vld [tilespmem:s10+$0xFFFFFFE0];
	_ =	sdelay $0x3  }
0x6c: {  	v5 =	vadd.f32 v6, v5  }
0x6d: {  	v1 =	vadd.f32 v2, v1  }
0x6e: {  	v6 =	vld [tilespmem:s28+$0x30];
	[tilespmem:s28+$0x20] =	vst v5  }
0x6f: {  	v2 =	vld [tilespmem:s10+$0x30];
	[tilespmem:s28+$0xFFFFFFE0] =	vst v1  }
0x70: {  	v1 =	vld [tilespmem:s10+$0xFFFFFFF0];
	_ =	sdelay $0x2  }
0x71: {  	v0 =	vadd.f32 v4, v0  }
0x72: {  	s21 =	sadd.s32 s4, s3;
	[tilespmem:s22+$0x30] =	vst v7;
	v2 =	vadd.f32 v2, v6  }
0x73: {  	[tilespmem:s22+$0xFFFFFFF0] =	vst v0;
	s10 =	smul.u32 $0xC80, s21;
	v0 =	vadd.f32 v1, v3  }
0x74: {  	[tilespmem:s28+$0x30] =	vst v2  }
0x75: {  	s10 =	sadd.s32 s7, s10;
	[tilespmem:s28+$0xFFFFFFF0] =	vst v0  }
0x76: {  	[hbm4b:s10+s6] =	stream.strided.scatter [tilespmem:s24], [sflag:$0x9], $0x3200, s18, s6, $0x38;
	[tilespmem:$0xFD20] =	vst v63  }
0x77: {  	_ =	swait.ge [sflag:s19], $0xC8  }
0x78: {  	[sflag:s19] =	ssyncset.done $0x0  }
0x79: {  	s10 =	simm.s32 @!p1 $0xC;
	[sflag:s19] =	ssyncadd.s32 $0xFFFFFF38  }
0x7a: {  	_ =	swait.ge @!p1 [sflag:s10], $0x3200  }
0x7b: {  	[sflag:s10] =	ssyncset.done @!p1 $0x0  }
0x7c: {  	s11 =	simm.s32 $0x3458;
	[sflag:s10] =	ssyncadd.s32 @!p1 $0xFFFFCE00  }
0x7d: {  	[tilespmem:s9], [sflag:$0x8] =	stream.indirect.gather [hbm4b:s5+s23], $0x40, s11, s23, $0xb8;
	[tilespmem:$0xFD20] =	vst v63  }
0x7e: {  	s20 =	simm.s32 $0x34C0;
	s11 =	simm.s32 $0xE520  }
0x7f: {  	[tilespmem:s11], [sflag:$0x8] =	stream.indirect.gather [hbm4b:s5+s25], $0x40, s20, s25, $0xb8;
	[tilespmem:$0xFD20] =	vst v63  }
0x80: {  	_ =	swait.ge [sflag:s16], $0x1A00  }
0x81: {  	s10 =	sadd.s32 @!p0 s3, s13;
	[sflag:s16] =	ssyncset.done $0x0  }
0x82: {  	s10 =	smul.u32 @!p0 $0x19, s10;
	[sflag:s16] =	ssyncadd.s32 $0xFFFFE600  }
0x83: {  	_ =	swait.ge [sflag:s16], $0x1800  }
0x84: {  	s22 =	simm.s32 $0x6760;
	s10 =	sadd.s32 @!p0 s2, s10;
	[sflag:s16] =	ssyncset.done $0x0  }
0x85: {  	s11 =	simm.s32 @!p0 $0x0;
	s20 =	simm.s32 @!p0 $0x32C8;
	[sflag:s16] =	ssyncadd.s32 $0xFFFFE800  }
0x86: {  	[tilespmem:s20], [sflag:$0x2] =	stream.linear.gather @!p0 [hbm4b:s10+s11], $0xC8, $0x38;
	[tilespmem:$0xFD20] =	vst v63  }
0x87: {  	s21 =	simm.s32 $0x40;
	v0 =	vld [tilespmem:s22+$0x0]  }
0x88: {  	v1 =	vld [tilespmem:s21+$0x0];
	_ =	sdelay $0x1  }
0x89: {  	v2 =	vld [tilespmem:s21+$0xFFFFFFC0]  }
0x8a: {  	v3 =	vld [tilespmem:s22+$0xFFFFFFC0];
	_ =	sdelay $0x1  }
0x8b: {  	v0 =	vadd.f32 v1, v0;
	_ =	sdelay $0x1  }
0x8c: {  	[tilespmem:s22+$0x0] =	vst v0;
	v0 =	vld [tilespmem:s22+$0x10]  }
0x8d: {  	v1 =	vadd.f32 v2, v3;
	v2 =	vld [tilespmem:s21+$0x10]  }
0x8e: {  	v4 =	vld [tilespmem:s22+$0xFFFFFFE0]  }
0x8f: {  	v5 =	vld [tilespmem:s22+$0x20]  }
0x90: {  	v3 =	vld [tilespmem:s22+$0xFFFFFFD0];
	[tilespmem:s22+$0xFFFFFFC0] =	vst v1  }
0x91: {  	s28 =	simm.s32 $0x67E0;
	v1 =	vld [tilespmem:s21+$0xFFFFFFD0]  }
0x92: {  	s31 =	simm.s32 $0xC0;
	v6 =	vld [tilespmem:s28+$0x0];
	v0 =	vadd.f32 v2, v0  }
0x93: {  	v7 =	vld [tilespmem:s31+$0x0]  }
0x94: {  	v9 =	vld [tilespmem:s31+$0xFFFFFFC0];
	[tilespmem:s22+$0x10] =	vst v0  }
0x95: {  	v8 =	vld [tilespmem:s21+$0x20]  }
0x96: {  	v1 =	vadd.f32 v1, v3;
	v3 =	vld [tilespmem:s28+$0xFFFFFFC0]  }
0x97: {  	v2 =	vld [tilespmem:s28+$0xFFFFFFD0]  }
0x98: {  	v0 =	vld [tilespmem:s22+$0xFFFFFFF0];
	[tilespmem:s22+$0xFFFFFFD0] =	vst v1;
	v1 =	vadd.f32 v7, v6  }
0x99: {  	v6 =	vld [tilespmem:s21+$0xFFFFFFE0]  }
0x9a: {  	v7 =	vld [tilespmem:s22+$0x30];
	[tilespmem:s28+$0x0] =	vst v1;
	v5 =	vadd.f32 v8, v5  }
0x9b: {  	v1 =	vadd.f32 v9, v3;
	v9 =	vld [tilespmem:s31+$0x10]  }
0x9c: {  	v8 =	vld [tilespmem:s28+$0x10];
	[tilespmem:s22+$0x20] =	vst v5  }
0x9d: {  	v10 =	vld [tilespmem:s21+$0x30]  }
0x9e: {  	v3 =	vld [tilespmem:s28+$0xFFFFFFF0];
	[tilespmem:s28+$0xFFFFFFC0] =	vst v1;
	v4 =	vadd.f32 v6, v4  }
0x9f: {  	v6 =	vld [tilespmem:s31+$0xFFFFFFD0]  }
0xa0: {  	v1 =	vld [tilespmem:s28+$0xFFFFFFE0];
	[tilespmem:s22+$0xFFFFFFE0] =	vst v4  }
0xa1: {  	s10 =	sor.u32 $0x1, s3;
	v4 =	vld [tilespmem:s21+$0xFFFFFFF0];
	v8 =	vadd.f32 v9, v8  }
0xa2: {  	s20 =	simm.s32 $0x2;
	s11 =	simm.s32 $0xC0;
	v5 =	vld [tilespmem:s28+$0x20];
	s21 =	simm.s32 $0x6860;
	v7 =	vadd.f32 v10, v7  }
.LBB2_5:
0xa3: {  	v9 =	vld [tilespmem:s21+$0x0];
	[tilespmem:s28+$0x10] =	vst v8;
	s31 =	sadd.s32 $0x80, s31  }
0xa4: {  	v8 =	vld [tilespmem:s31+$0x0];
	v2 =	vadd.f32 v6, v2;
	[tilespmem:s22+$0x30] =	vst v7  }
0xa5: {  	s20 =	sadd.s32 $0x2, s20;
	v6 =	vld [tilespmem:s11+$0x20]  }
0xa6: {  	p1 =	slt.u32 s20, $0xC6;
	v7 =	vld [tilespmem:s31+$0xFFFFFFC0];
	[tilespmem:s28+$0xFFFFFFD0] =	vst v2;
	v4 =	vadd.f32 v4, v0;
	v0 =	vmov v3  }
0xa7: {  	v3 =	vld [tilespmem:s21+$0xFFFFFFC0]  }
0xa8: {  	v2 =	vld [tilespmem:s21+$0xFFFFFFD0];
	[tilespmem:s22+$0xFFFFFFF0] =	vst v4;
	s22 =	smov.u32 s28;
	s28 =	smov.u32 s21  }
0xa9: {  	v4 =	vadd.f32 v8, v9;
	v8 =	vld [tilespmem:s11+$0xFFFFFFE0]  }
0xaa: {  	v5 =	vadd.f32 v6, v5;
	v9 =	vld [tilespmem:s22+$0x30]  }
0xab: {  	[tilespmem:s21+$0x0] =	vst v4;
	v4 =	vld [tilespmem:s21+$0x10]  }
0xac: {  	v3 =	vadd.f32 v7, v3;
	v7 =	vld [tilespmem:s31+$0x10];
	[tilespmem:s22+$0x20] =	vst v5  }
0xad: {  	v10 =	vld [tilespmem:s11+$0x30]  }
.Ltmp1:
0xae: {  	[tilespmem:s21+$0xFFFFFFC0] =	vst v3;
	v5 =	vadd.f32 v8, v1;
	v1 =	vld [tilespmem:s21+$0xFFFFFFE0];
	(pc) =	sbr.rel @p1 .LBB2_5-.Ltmp1, $4  }
0xaf: {  	v6 =	vld [tilespmem:s31+$0xFFFFFFD0]  }
0xb0: {  	v3 =	vld [tilespmem:s21+$0xFFFFFFF0];
	[tilespmem:s22+$0xFFFFFFE0] =	vst v5  }
0xb1: {  	v8 =	vadd.f32 v7, v4;
	v4 =	vld [tilespmem:s11+$0xFFFFFFF0];
	s11 =	smov.u32 s31  }
0xb2: {  	s21 =	sadd.s32 $0x80, s21;
	v5 =	vld [tilespmem:s28+$0x20];
	v7 =	vadd.f32 v10, v9  }
0xb3: {  	_ = 	snop  }
0xb4: {  	v2 =	vadd.f32 v6, v2  }
0xb5: {  	[tilespmem:s28+$0x10] =	vst v8  }
0xb6: {  	v6 =	vld [tilespmem:s11+$0x20];
	[tilespmem:s28+$0xFFFFFFD0] =	vst v2  }
0xb7: {  	v2 =	vld [tilespmem:s11+$0xFFFFFFE0];
	_ =	sdelay $0x3  }
0xb8: {  	v5 =	vadd.f32 v6, v5  }
0xb9: {  	v1 =	vadd.f32 v2, v1  }
0xba: {  	v6 =	vld [tilespmem:s28+$0x30];
	[tilespmem:s28+$0x20] =	vst v5  }
0xbb: {  	v2 =	vld [tilespmem:s11+$0x30];
	[tilespmem:s28+$0xFFFFFFE0] =	vst v1  }
0xbc: {  	v1 =	vld [tilespmem:s11+$0xFFFFFFF0];
	_ =	sdelay $0x2  }
0xbd: {  	v0 =	vadd.f32 v4, v0  }
0xbe: {  	s10 =	sadd.s32 s4, s10;
	[tilespmem:s22+$0x30] =	vst v7;
	v2 =	vadd.f32 v2, v6  }
0xbf: {  	s10 =	smul.u32 $0xC80, s10;
	[tilespmem:s22+$0xFFFFFFF0] =	vst v0;
	v0 =	vadd.f32 v1, v3  }
0xc0: {  	s22 =	sor.u32 $0x2, s3;
	[tilespmem:s28+$0x30] =	vst v2  }
0xc1: {  	s10 =	sadd.s32 s7, s10;
	p1 =	sgt.u32 s22, $0x7D;
	[tilespmem:s28+$0xFFFFFFF0] =	vst v0  }
0xc2: {  	[hbm4b:s10+s6] =	stream.strided.scatter [tilespmem:s30], [sflag:$0xA], $0x3200, s18, s6, $0x38;
	[tilespmem:$0xFD20] =	vst v63  }
0xc3: {  	s10 =	simm.s32 @!p1 $0x1  }
0xc4: {  	_ =	swait.ge @!p1 [sflag:s10], $0xC8  }
0xc5: {  	[sflag:s10] =	ssyncset.done @!p1 $0x0  }
0xc6: {  	[sflag:s10] =	ssyncadd.s32 @!p1 $0xFFFFFF38;
	s10 =	simm.s32 @!p1 $0x9  }
0xc7: {  	_ =	swait.ge @!p1 [sflag:s10], $0x3200  }
0xc8: {  	s20 =	simm.s32 @!p1 $0x3520;
	[sflag:s10] =	ssyncset.done @!p1 $0x0  }
0xc9: {  	s11 =	simm.s32 @!p1 $0x3200;
	[sflag:s10] =	ssyncadd.s32 @!p1 $0xFFFFCE00;
	s10 =	simm.s32 @!p1 $0x68  }
0xca: {  	[tilespmem:s20], [sflag:$0x5] =	stream.indirect.gather @!p1 [hbm4b:s5+s10], $0x40, s11, s10, $0xb8;
	[tilespmem:$0xFD20] =	vst v63  }
0xcb: {  	s10 =	simm.s32 @!p1 $0x60;
	s11 =	simm.s32 @!p1 $0x3268;
	s20 =	simm.s32 @!p1 $0x4F20  }
0xcc: {  	[tilespmem:s20], [sflag:$0x5] =	stream.indirect.gather @!p1 [hbm4b:s5+s10], $0x40, s11, s10, $0xb8;
	[tilespmem:$0xFD20] =	vst v63  }
0xcd: {  	_ =	swait.ge [sflag:s8], $0x1A00  }
0xce: {  	[sflag:s8] =	ssyncset.done $0x0  }
0xcf: {  	s10 =	sadd.s32 @!p0 s3, s14;
	[sflag:s8] =	ssyncadd.s32 $0xFFFFE600  }
0xd0: {  	s10 =	smul.u32 @!p0 $0x19, s10;
	_ =	swait.ge [sflag:s8], $0x1800  }
0xd1: {  	s28 =	simm.s32 $0x9960;
	s11 =	simm.s32 @!p0 $0x0;
	[sflag:s8] =	ssyncset.done $0x0  }
0xd2: {  	s20 =	simm.s32 @!p0 $0x3390;
	s10 =	sadd.s32 @!p0 s2, s10;
	[sflag:s8] =	ssyncadd.s32 $0xFFFFE800  }
0xd3: {  	[tilespmem:s20], [sflag:$0x3] =	stream.linear.gather @!p0 [hbm4b:s10+s11], $0xC8, $0x38;
	[tilespmem:$0xFD20] =	vst v63  }
0xd4: {  	s21 =	simm.s32 $0x40;
	v0 =	vld [tilespmem:s28+$0x0]  }
0xd5: {  	v1 =	vld [tilespmem:s21+$0x0];
	_ =	sdelay $0x1  }
0xd6: {  	v2 =	vld [tilespmem:s21+$0xFFFFFFC0]  }
0xd7: {  	v3 =	vld [tilespmem:s28+$0xFFFFFFC0];
	_ =	sdelay $0x1  }
0xd8: {  	v0 =	vadd.f32 v1, v0;
	_ =	sdelay $0x1  }
0xd9: {  	[tilespmem:s28+$0x0] =	vst v0;
	v0 =	vld [tilespmem:s28+$0x10]  }
0xda: {  	v1 =	vadd.f32 v2, v3;
	v2 =	vld [tilespmem:s21+$0x10]  }
0xdb: {  	v4 =	vld [tilespmem:s28+$0xFFFFFFE0]  }
0xdc: {  	v5 =	vld [tilespmem:s28+$0x20]  }
0xdd: {  	v3 =	vld [tilespmem:s28+$0xFFFFFFD0];
	[tilespmem:s28+$0xFFFFFFC0] =	vst v1  }
0xde: {  	s31 =	simm.s32 $0x99E0;
	v1 =	vld [tilespmem:s21+$0xFFFFFFD0]  }
0xdf: {  	s10 =	simm.s32 $0xC0;
	v6 =	vld [tilespmem:s31+$0x0];
	v0 =	vadd.f32 v2, v0  }
0xe0: {  	v7 =	vld [tilespmem:s10+$0x0]  }
0xe1: {  	v9 =	vld [tilespmem:s10+$0xFFFFFFC0];
	[tilespmem:s28+$0x10] =	vst v0  }
0xe2: {  	v8 =	vld [tilespmem:s21+$0x20]  }
0xe3: {  	v1 =	vadd.f32 v1, v3;
	v3 =	vld [tilespmem:s31+$0xFFFFFFC0]  }
0xe4: {  	v2 =	vld [tilespmem:s31+$0xFFFFFFD0]  }
0xe5: {  	v0 =	vld [tilespmem:s28+$0xFFFFFFF0];
	[tilespmem:s28+$0xFFFFFFD0] =	vst v1;
	v1 =	vadd.f32 v7, v6  }
0xe6: {  	v6 =	vld [tilespmem:s21+$0xFFFFFFE0]  }
0xe7: {  	v7 =	vld [tilespmem:s28+$0x30];
	[tilespmem:s31+$0x0] =	vst v1;
	v5 =	vadd.f32 v8, v5  }
0xe8: {  	v1 =	vadd.f32 v9, v3;
	v9 =	vld [tilespmem:s10+$0x10]  }
0xe9: {  	v8 =	vld [tilespmem:s31+$0x10];
	[tilespmem:s28+$0x20] =	vst v5  }
0xea: {  	v10 =	vld [tilespmem:s21+$0x30]  }
0xeb: {  	v3 =	vld [tilespmem:s31+$0xFFFFFFF0];
	[tilespmem:s31+$0xFFFFFFC0] =	vst v1;
	v4 =	vadd.f32 v6, v4  }
0xec: {  	v6 =	vld [tilespmem:s10+$0xFFFFFFD0]  }
0xed: {  	v1 =	vld [tilespmem:s31+$0xFFFFFFE0];
	[tilespmem:s28+$0xFFFFFFE0] =	vst v4  }
0xee: {  	v4 =	vld [tilespmem:s21+$0xFFFFFFF0];
	v8 =	vadd.f32 v9, v8  }
0xef: {  	s20 =	simm.s32 $0x2;
	s11 =	simm.s32 $0xC0;
	v5 =	vld [tilespmem:s31+$0x20];
	s21 =	simm.s32 $0x9A60;
	v7 =	vadd.f32 v10, v7  }
.LBB2_7:
0xf0: {  	v9 =	vld [tilespmem:s21+$0x0];
	[tilespmem:s31+$0x10] =	vst v8;
	s10 =	sadd.s32 $0x80, s10  }
0xf1: {  	v8 =	vld [tilespmem:s10+$0x0];
	v2 =	vadd.f32 v6, v2;
	[tilespmem:s28+$0x30] =	vst v7  }
0xf2: {  	s20 =	sadd.s32 $0x2, s20;
	v6 =	vld [tilespmem:s11+$0x20]  }
0xf3: {  	p1 =	slt.u32 s20, $0xC6;
	v7 =	vld [tilespmem:s10+$0xFFFFFFC0];
	[tilespmem:s31+$0xFFFFFFD0] =	vst v2;
	v4 =	vadd.f32 v4, v0;
	v0 =	vmov v3  }
0xf4: {  	v3 =	vld [tilespmem:s21+$0xFFFFFFC0]  }
0xf5: {  	v2 =	vld [tilespmem:s21+$0xFFFFFFD0];
	[tilespmem:s28+$0xFFFFFFF0] =	vst v4;
	s28 =	smov.u32 s31;
	s31 =	smov.u32 s21  }
0xf6: {  	v4 =	vadd.f32 v8, v9;
	v8 =	vld [tilespmem:s11+$0xFFFFFFE0]  }
0xf7: {  	v5 =	vadd.f32 v6, v5;
	v9 =	vld [tilespmem:s28+$0x30]  }
0xf8: {  	[tilespmem:s21+$0x0] =	vst v4;
	v4 =	vld [tilespmem:s21+$0x10]  }
0xf9: {  	v3 =	vadd.f32 v7, v3;
	v7 =	vld [tilespmem:s10+$0x10];
	[tilespmem:s28+$0x20] =	vst v5  }
0xfa: {  	v10 =	vld [tilespmem:s11+$0x30]  }
.Ltmp2:
0xfb: {  	[tilespmem:s21+$0xFFFFFFC0] =	vst v3;
	v5 =	vadd.f32 v8, v1;
	v1 =	vld [tilespmem:s21+$0xFFFFFFE0];
	(pc) =	sbr.rel @p1 .LBB2_7-.Ltmp2, $4  }
0xfc: {  	v6 =	vld [tilespmem:s10+$0xFFFFFFD0]  }
0xfd: {  	v3 =	vld [tilespmem:s21+$0xFFFFFFF0];
	[tilespmem:s28+$0xFFFFFFE0] =	vst v5  }
0xfe: {  	v8 =	vadd.f32 v7, v4;
	v4 =	vld [tilespmem:s11+$0xFFFFFFF0];
	s11 =	smov.u32 s10  }
0xff: {  	s21 =	sadd.s32 $0x80, s21;
	v5 =	vld [tilespmem:s31+$0x20];
	v7 =	vadd.f32 v10, v9  }
0x100: {  	_ = 	snop  }
0x101: {  	v2 =	vadd.f32 v6, v2  }
0x102: {  	[tilespmem:s31+$0x10] =	vst v8  }
0x103: {  	v6 =	vld [tilespmem:s11+$0x20];
	[tilespmem:s31+$0xFFFFFFD0] =	vst v2  }
0x104: {  	v2 =	vld [tilespmem:s11+$0xFFFFFFE0];
	_ =	sdelay $0x3  }
0x105: {  	v5 =	vadd.f32 v6, v5  }
0x106: {  	v1 =	vadd.f32 v2, v1  }
0x107: {  	v6 =	vld [tilespmem:s31+$0x30];
	[tilespmem:s31+$0x20] =	vst v5  }
0x108: {  	v2 =	vld [tilespmem:s11+$0x30];
	[tilespmem:s31+$0xFFFFFFE0] =	vst v1  }
0x109: {  	v1 =	vld [tilespmem:s11+$0xFFFFFFF0];
	_ =	sdelay $0x2  }
0x10a: {  	v0 =	vadd.f32 v4, v0  }
0x10b: {  	s10 =	sadd.s32 s4, s22;
	[tilespmem:s28+$0x30] =	vst v7;
	v2 =	vadd.f32 v2, v6  }
0x10c: {  	s10 =	smul.u32 $0xC80, s10;
	[tilespmem:s28+$0xFFFFFFF0] =	vst v0;
	v0 =	vadd.f32 v1, v3  }
0x10d: {  	s22 =	sor.u32 $0x3, s3;
	[tilespmem:s31+$0x30] =	vst v2  }
0x10e: {  	p1 =	sgt.u32 s22, $0x7D;
	s10 =	sadd.s32 s7, s10;
	[tilespmem:s31+$0xFFFFFFF0] =	vst v0  }
0x10f: {  	[hbm4b:s10+s6] =	stream.strided.scatter [tilespmem:s26], [sflag:$0xB], $0x3200, s18, s6, $0x38;
	[tilespmem:$0xFD20] =	vst v63  }
0x110: {  	s10 =	simm.s32 @!p1 $0x2  }
0x111: {  	_ =	swait.ge @!p1 [sflag:s10], $0xC8  }
0x112: {  	[sflag:s10] =	ssyncset.done @!p1 $0x0  }
0x113: {  	[sflag:s10] =	ssyncadd.s32 @!p1 $0xFFFFFF38;
	s10 =	simm.s32 @!p1 $0xA  }
0x114: {  	_ =	swait.ge @!p1 [sflag:s10], $0x3200  }
0x115: {  	s20 =	simm.s32 @!p1 $0x6720;
	[sflag:s10] =	ssyncset.done @!p1 $0x0  }
0x116: {  	s11 =	simm.s32 @!p1 $0x32C8;
	[sflag:s10] =	ssyncadd.s32 @!p1 $0xFFFFCE00;
	s10 =	simm.s32 @!p1 $0x68  }
0x117: {  	[tilespmem:s20], [sflag:$0x6] =	stream.indirect.gather @!p1 [hbm4b:s5+s10], $0x40, s11, s10, $0xb8;
	[tilespmem:$0xFD20] =	vst v63  }
0x118: {  	s10 =	simm.s32 @!p1 $0x60;
	s11 =	simm.s32 @!p1 $0x3330;
	s20 =	simm.s32 @!p1 $0x8120  }
0x119: {  	[tilespmem:s20], [sflag:$0x6] =	stream.indirect.gather @!p1 [hbm4b:s5+s10], $0x40, s11, s10, $0xb8;
	[tilespmem:$0xFD20] =	vst v63  }
0x11a: {  	_ =	swait.ge [sflag:s17], $0x1A00  }
0x11b: {  	s3 =	sadd.s32 @!p0 s3, s15;
	[sflag:s17] =	ssyncset.done $0x0  }
0x11c: {  	s3 =	smul.u32 @!p0 $0x19, s3;
	[sflag:s17] =	ssyncadd.s32 $0xFFFFE600  }
0x11d: {  	_ =	swait.ge [sflag:s17], $0x1800  }
0x11e: {  	s3 =	sadd.s32 @!p0 s2, s3;
	[sflag:s17] =	ssyncset.done $0x0  }
0x11f: {  	s10 =	simm.s32 @!p0 $0x0;
	s11 =	simm.s32 @!p0 $0x3458;
	[sflag:s17] =	ssyncadd.s32 $0xFFFFE800  }
0x120: {  	[tilespmem:s11], [sflag:$0x4] =	stream.linear.gather @!p0 [hbm4b:s3+s10], $0xC8, $0x38;
	[tilespmem:$0xFD20] =	vst v63  }
0x121: {  	s3 =	simm.s32 $0xCB60  }
0x122: {  	s31 =	simm.s32 $0x40;
	v0 =	vld [tilespmem:s3+$0x0]  }
0x123: {  	v1 =	vld [tilespmem:s31+$0x0];
	_ =	sdelay $0x1  }
0x124: {  	v2 =	vld [tilespmem:s31+$0xFFFFFFC0]  }
0x125: {  	v3 =	vld [tilespmem:s3+$0xFFFFFFC0];
	_ =	sdelay $0x1  }
0x126: {  	v0 =	vadd.f32 v1, v0;
	_ =	sdelay $0x1  }
0x127: {  	[tilespmem:s3+$0x0] =	vst v0;
	v0 =	vld [tilespmem:s3+$0x10]  }
0x128: {  	v1 =	vadd.f32 v2, v3;
	v2 =	vld [tilespmem:s31+$0x10]  }
0x129: {  	v4 =	vld [tilespmem:s3+$0xFFFFFFE0]  }
0x12a: {  	v5 =	vld [tilespmem:s3+$0x20]  }
0x12b: {  	v3 =	vld [tilespmem:s3+$0xFFFFFFD0];
	[tilespmem:s3+$0xFFFFFFC0] =	vst v1  }
0x12c: {  	s28 =	simm.s32 $0xCBE0;
	v1 =	vld [tilespmem:s31+$0xFFFFFFD0]  }
0x12d: {  	s10 =	simm.s32 $0xC0;
	v6 =	vld [tilespmem:s28+$0x0];
	v0 =	vadd.f32 v2, v0  }
0x12e: {  	v7 =	vld [tilespmem:s10+$0x0]  }
0x12f: {  	v9 =	vld [tilespmem:s10+$0xFFFFFFC0];
	[tilespmem:s3+$0x10] =	vst v0  }
0x130: {  	v8 =	vld [tilespmem:s31+$0x20]  }
0x131: {  	v1 =	vadd.f32 v1, v3;
	v3 =	vld [tilespmem:s28+$0xFFFFFFC0]  }
0x132: {  	v2 =	vld [tilespmem:s28+$0xFFFFFFD0]  }
0x133: {  	v0 =	vld [tilespmem:s3+$0xFFFFFFF0];
	[tilespmem:s3+$0xFFFFFFD0] =	vst v1;
	v1 =	vadd.f32 v7, v6  }
0x134: {  	v6 =	vld [tilespmem:s31+$0xFFFFFFE0]  }
0x135: {  	v7 =	vld [tilespmem:s3+$0x30];
	[tilespmem:s28+$0x0] =	vst v1;
	v5 =	vadd.f32 v8, v5  }
0x136: {  	v1 =	vadd.f32 v9, v3;
	v9 =	vld [tilespmem:s10+$0x10]  }
0x137: {  	v8 =	vld [tilespmem:s28+$0x10];
	[tilespmem:s3+$0x20] =	vst v5  }
0x138: {  	v10 =	vld [tilespmem:s31+$0x30]  }
0x139: {  	v3 =	vld [tilespmem:s28+$0xFFFFFFF0];
	[tilespmem:s28+$0xFFFFFFC0] =	vst v1;
	v4 =	vadd.f32 v6, v4  }
0x13a: {  	v6 =	vld [tilespmem:s10+$0xFFFFFFD0]  }
0x13b: {  	v1 =	vld [tilespmem:s28+$0xFFFFFFE0];
	[tilespmem:s3+$0xFFFFFFE0] =	vst v4  }
0x13c: {  	v4 =	vld [tilespmem:s31+$0xFFFFFFF0];
	v8 =	vadd.f32 v9, v8  }
0x13d: {  	s21 =	simm.s32 $0xCC60;
	s20 =	simm.s32 $0x2;
	s11 =	simm.s32 $0xC0;
	v5 =	vld [tilespmem:s28+$0x20];
	v7 =	vadd.f32 v10, v7  }
.LBB2_9:
0x13e: {  	v9 =	vld [tilespmem:s21+$0x0];
	[tilespmem:s28+$0x10] =	vst v8;
	s10 =	sadd.s32 $0x80, s10  }
0x13f: {  	v8 =	vld [tilespmem:s10+$0x0];
	v2 =	vadd.f32 v6, v2;
	[tilespmem:s3+$0x30] =	vst v7  }
0x140: {  	s20 =	sadd.s32 $0x2, s20;
	v6 =	vld [tilespmem:s11+$0x20]  }
0x141: {  	p0 =	slt.u32 s20, $0xC6;
	v7 =	vld [tilespmem:s10+$0xFFFFFFC0];
	[tilespmem:s28+$0xFFFFFFD0] =	vst v2;
	v4 =	vadd.f32 v4, v0;
	v0 =	vmov v3  }
0x142: {  	v3 =	vld [tilespmem:s21+$0xFFFFFFC0]  }
0x143: {  	v2 =	vld [tilespmem:s21+$0xFFFFFFD0];
	[tilespmem:s3+$0xFFFFFFF0] =	vst v4;
	s3 =	smov.u32 s28;
	s28 =	smov.u32 s21  }
0x144: {  	v4 =	vadd.f32 v8, v9;
	v8 =	vld [tilespmem:s11+$0xFFFFFFE0]  }
0x145: {  	v5 =	vadd.f32 v6, v5;
	v9 =	vld [tilespmem:s3+$0x30]  }
0x146: {  	[tilespmem:s21+$0x0] =	vst v4;
	v4 =	vld [tilespmem:s21+$0x10]  }
0x147: {  	v3 =	vadd.f32 v7, v3;
	v7 =	vld [tilespmem:s10+$0x10];
	[tilespmem:s3+$0x20] =	vst v5  }
0x148: {  	v10 =	vld [tilespmem:s11+$0x30]  }
.Ltmp3:
0x149: {  	[tilespmem:s21+$0xFFFFFFC0] =	vst v3;
	v5 =	vadd.f32 v8, v1;
	v1 =	vld [tilespmem:s21+$0xFFFFFFE0];
	(pc) =	sbr.rel @p0 .LBB2_9-.Ltmp3, $4  }
0x14a: {  	v6 =	vld [tilespmem:s10+$0xFFFFFFD0]  }
0x14b: {  	v3 =	vld [tilespmem:s21+$0xFFFFFFF0];
	[tilespmem:s3+$0xFFFFFFE0] =	vst v5  }
0x14c: {  	v8 =	vadd.f32 v7, v4;
	v4 =	vld [tilespmem:s11+$0xFFFFFFF0];
	s11 =	smov.u32 s10  }
0x14d: {  	s21 =	sadd.s32 $0x80, s21;
	v5 =	vld [tilespmem:s28+$0x20];
	v7 =	vadd.f32 v10, v9  }
0x14e: {  	_ = 	snop  }
0x14f: {  	v2 =	vadd.f32 v6, v2  }
0x150: {  	[tilespmem:s28+$0x10] =	vst v8  }
0x151: {  	v60 =	vld [tilespmem:s11+$0x20];
	[tilespmem:s28+$0xFFFFFFD0] =	vst v2  }
0x152: {  	v2 =	vld [tilespmem:s11+$0xFFFFFFE0];
	_ =	sdelay $0x3  }
0x153: {  	v5 =	vadd.f32 v60, v5  }
0x154: {  	v1 =	vadd.f32 v2, v1  }
0x155: {  	v61 =	vld [tilespmem:s28+$0x30];
	[tilespmem:s28+$0x20] =	vst v5  }
0x156: {  	v62 =	vld [tilespmem:s11+$0x30];
	[tilespmem:s28+$0xFFFFFFE0] =	vst v1  }
0x157: {  	v1 =	vld [tilespmem:s11+$0xFFFFFFF0];
	_ =	sdelay $0x1  }
0x158: {  	s29 =	sadd.s32 $0x1, s29  }
0x159: {  	p0 =	sne.s32 s29, $0x20;
	v0 =	vadd.f32 v4, v0  }
.Ltmp4:
0x15a: {  	s10 =	sadd.s32 s4, s22;
	[tilespmem:s3+$0x30] =	vst v7;
	v2 =	vadd.f32 v62, v61;
	(pc) =	sbr.rel @p0 .LBB2_2-.Ltmp4, $4  }
0x15b: {  	s31 =	smul.u32 $0xC80, s10;
	[tilespmem:s3+$0xFFFFFFF0] =	vst v0;
	v63 =	vadd.f32 v1, v3  }
0x15c: {  	[tilespmem:s28+$0x30] =	vst v2  }
0x15d: {  	s3 =	sadd.s32 s7, s31;
	[tilespmem:s28+$0xFFFFFFF0] =	vst v63  }
0x15e: {  	[hbm4b:s3+s6] =	stream.strided.scatter [tilespmem:s9], [sflag:$0xC], $0x3200, s18, s6, $0x38;
	[tilespmem:$0xFD20] =	vst v63  }
0x15f: {  	s3 =	simm.s32 $0x9  }
0x160: {  	_ =	swait.ge [sflag:s3], $0x3200  }
0x161: {  	[sflag:s3] =	ssyncset.done $0x0  }
0x162: {  	s28 =	simm.s32 $0xA;
	[sflag:s3] =	ssyncadd.s32 $0xFFFFCE00  }
0x163: {  	_ =	swait.ge [sflag:s28], $0x3200  }
0x164: {  	[sflag:s28] =	ssyncset.done $0x0  }
0x165: {  	s29 =	simm.s32 $0xB;
	[sflag:s28] =	ssyncadd.s32 $0xFFFFCE00  }
0x166: {  	_ =	swait.ge [sflag:s29], $0x3200  }
0x167: {  	[sflag:s29] =	ssyncset.done $0x0  }
0x168: {  	s10 =	simm.s32 $0xC;
	[sflag:s29] =	ssyncadd.s32 $0xFFFFCE00  }
0x169: {  	_ =	swait.ge [sflag:s10], $0x3200  }
0x16a: {  	s11 =	rddreg [dreg:$0x9]  }
0x16b: {  	s31 =	rddreg [dreg:$0x8];
	s11 =	sadd.s32 $0x1, s11  }
0x16c: {  	p0 =	sne.s32 s11, s31  }
.Ltmp5:
0x16d: {  	_ = 	snop;
	(pc) =	sbr.rel @p0 .LBB2_1-.Ltmp5, $3  }
0x16e: {  	_ =	sdelay $0x1  }
0x16f: {  	[sflag:s10] =	ssyncset.done $0x0  }
0x170: {  	[sflag:s10] =	ssyncadd.s32 $0xFFFFCE00  }
0x171: {  	_ =	sfence.sel $0x180000  }
0x172: {  	[bflag:$0x0] =	sbarrier.arrive $0xFFFF  }
0x173: {  	_ =	strace $0x90000047  }
0x174: {  	s0 =	stileid.u32;
	[bflag:$0x2] =	sbarrier.arrive $0xFFFF  }
0x175: {  	p0 =	sne.s32 s0, $0x0;
	s0 =	rddreg [dreg:$0x2]  }
0x176: {  	s0 =	sadd.s32 @!p0 $0x100000, s0  }
0x177: {  	[sflag:s0] =	ssyncadd.tile.s32 @!p0 $0x1;
	_ =	shalt  }
.Lfunc_end2:
_tile_overlayer_lowered:
.L_overlay_start_2:
0x178: {  	(tag) =	ssettag $0x2  }
0x179: {  	s0 =	rddreg [dreg:$0x0];
	s2 =	stileid.u32  }
0x17a: {  	s1 =	rddreg [dreg:$0x1];
	p0 =	sne.s32 s2, $0x0  }
0x17b: {  	s3 =	rddreg [dreg:$0x2];
	[bflag:$0x3] =	sbarrier.arrive $0xFFFF;
	s2 =	simm.s32 @!p0 $0x1C0D  }
0x17c: {  	[timem:s3], [sflag:s2] =	dma.local @!p0 [hbm:s0], s1  }
0x17d: {  	s0 =	simm.s32 @!p0 $0xD  }
0x17e: {  	_ =	swait.ge @!p0 [sflag:s0], s1  }
0x17f: {  	s1 =	ssub.s32 @!p0 $0x0, s1;
	[sflag:s0] =	ssyncset.done @!p0 $0x0  }
0x180: {  	[sflag:s0] =	ssyncadd.s32 @!p0 s1  }
0x181: {  	[bflag:$0x3] =	sbarrier.arrive $0xFFFF  }
0x182: {  	_ =	shalt  }

// kernel: sparse-core-data-format-call.cloned.1.call-start
scs
called_computation_lowered:
.L_overlay_start_0:
0x0: {  	s2 =	sld [smem:$0x3FD9]  }
0x1: {  	s3 =	sld [smem:$0x3FFE];
	_ =	sdelay $0x1  }
0x2: {  	s1 =	srdreg.scid  }
0x3: {  	s0 =	sand.u32 $0x1, s1  }
0x4: {  	s18 =	sshll.u32 s0, $0xA;
	s2 =	sadd.s32 s3, s2  }
0x5: {  	s2 =	sadd.s32 s2, s18  }
0x6: {  	[smem:$0x3FC5] =	sst s2  }
0x7: {  	_ = 	snop  }
0x8: {  	s2 =	sld [smem:$0x3FD0];
	(tm) =	ssettm $0x1  }
0x9: {  	s19 =	sld [smem:$0x3FFB];
	_ =	sdelay $0x3  }
0xa: {  	_ =	strace s19  }
0xb: {  	s3 =	sld [smem:$0x3FFC];
	_ =	sdelay $0x3  }
0xc: {  	_ =	strace s3  }
0xd: {  	s3 =	sld [smem:$0x3FFD];
	_ =	sdelay $0x3  }
0xe: {  	_ =	strace s3  }
0xf: {  	_ =	strace $0x8FFFFFFF  }
0x10: {  	s20 =	sld [smem:$0x3FDB];
	_ =	sdelay $0x1  }
0x11: {  	s4 =	simm.s32 $_scs_section_size  }
0x12: {  	s5 =	simm.s32 $_size__tile_overlayer_lowered;
	s6 =	simm.s32 $_tile_overlayer_lowered  }
0x13: {  	s23 =	simm.s32 $0x1BFF;
	s22 =	sshll.u32 s6, $0x1;
	s3 =	sadd.s32 s4, s20  }
0x14: {  	s7 =	simm.s32 $0x0;
	s21 =	sshll.u32 s5, $0x1;
	s5 =	sadd.s32 s22, s3  }
0x15: {  	[timem:s7], [sflag:s23] =	dma.local [hbm:s5], s21  }
0x16: {  	_ =	swait.ge [sflag:s23], s21  }
0x17: {  	s4 =	ssub.s32 $0x0, s21;
	[sflag:s23] =	ssyncset.done $0x0  }
0x18: {  	[sflag:s23] =	ssyncadd.s32 s4;
	_ =	sdelay $0x1  }
0x19: {  	s24 =	simm.s32 $0x1B8B  }
0x1a: {  	_ =	swait.ge [sflag:s24], $0x1  }
0x1b: {  	[sflag:s24] =	ssyncset.done $0x0  }
0x1c: {  	s26 =	simm.s32 $0x1B8E;
	s25 =	sld [smem:$0x3FFE];
	[sflag:s24] =	ssyncadd.s32 $0xFFFFFFFF  }
0x1d: {  	s27 =	simm.s32 $execute0_lowered;
	[smem:$0x3FD2] =	sst s26  }
0x1e: {  	s5 =	sshll.u32 s27, $0x1;
	_ =	strace $0x80000049;
	[dreg:$0x1] =	wrdreg $0xFFFFFFFF  }
0x1f: {  	s28 =	simm.s32 $_size_execute0_lowered;
	s3 =	sadd.s32 s3, s5;
	[dreg:$0x0] =	wrdreg $0x0  }
0x20: {  	s5 =	sshll.u32 s28, $0x1;
	[dreg:$0x2] =	wrdreg s3  }
0x21: {  	[dreg:$0x3] =	wrdreg s5  }
0x22: {  	[dreg:$0x4] =	wrdreg $0xC0  }
0x23: {  	_ =	task [dreg:s7], $0x5FFFF  }
0x24: {  	[dreg:$0x1] =	wrdreg $0xFFFFFFFF  }
0x25: {  	[dreg:$0x0] =	wrdreg $0x60  }
0x26: {  	[dreg:$0x2] =	wrdreg s25  }
0x27: {  	[dreg:$0x3] =	wrdreg s2  }
0x28: {  	[dreg:$0x4] =	wrdreg $0x9  }
0x29: {  	_ =	task.clear_ibuf [dreg:s7], $0x5FFFF;
	_ =	strace $0x90000049  }
0x2a: {  	s29 =	simm.s32 $0x9;
	_ =	strace $0x8000004B  }
0x2b: {  	_ =	swait.ge [sflag:s29], $0x1  }
0x2c: {  	[sflag:s29] =	ssyncadd.s32 $0xFFFFFFFF  }
0x2d: {  	_ =	strace $0x9000004B  }
0x2e: {  	_ =	sfence  }
0x2f: {  	s30 =	sld [smem:$0x0];
	_ =	sdelay $0x2  }
0x30: {  	s31 =	sshll.u32 s1, $0xD;
	s1 =	sshrl.u32 s1, $0x2  }
0x31: {  	s3 =	sand.u32 $0x4000, s31;
	s1 =	sadd.s32 s1, s30  }
0x32: {  	s0 =	sor.u32 s3, s0;
	s1 =	sshll.u32 s1, $0x11  }
0x33: {  	s0 =	sor.u32 s1, s0  }
0x34: {  	s0 =	sadd.s32 $0x8F2B, s0  }
0x35: {  	[sflag:s0] =	ssyncadd.remote.s32 $0x1  }
0x36: {  	_ =	sfence.sel $0xFFFF  }
0x37: {  	[dreg:$0x0] =	wrdreg $0xFFFFFFFF;
	(pc) =	sbr.abs _section_cstart, $3  }
0x38: {  	[dreg:$0x1] =	wrdreg $0xFFFFFFFF  }
0x39: {  	_ =	task.clear_ibuf [dreg:s7], $0x2FFFF;
	_ =	strace $0x9FFFFFFF  }
0x3a: {  	(tm) =	ssettm $0x7FFFFFFF  }
0x3b: {  	_ =	shalt  }
tec
execute0_lowered:
.L_overlay_start_1:
0x0: {  	(tag) =	ssettag $0x1  }
0x1: {  	s0 =	srdreg.scid  }
0x2: {  	s1 =	sshll.u32 s0, $0x4  }
0x3: {  	s0 =	stileid.u32;
	s1 =	sand.u32 $0x10, s1  }
0x4: {  	s1 =	sor.u32 s0, s1  }
0x5: {  	s6 =	rddreg [dreg:$0x0];
	s4 =	simm.s32 $0x1;
	s2 =	sshll.u32 s1, $0x7  }
0x6: {  	s7 =	simm.s32 $0x2;
	s12 =	simm.s32 $0x0;
	s1 =	ssub.s32 $0x1000, s2  }
0x7: {  	s8 =	simm.s32 $0x8000;
	s13 =	simm.s32 $0x0;
	s3 =	sand.u32 $0xF80, s1  }
0x8: {  	s9 =	simm.s32 $0x0;
	s5 =	sshrl.u32 s1, $0xC;
	p0 =	sne.s32 s3, $0x0  }
.Ltmp0:
0x9: {  	s1 =	rddreg [dreg:$0x2];
	s4 =	simm.s32 @!p0 $0x0;
	(pc) =	sbr.rel .LBB1_1-.Ltmp0, $4  }
0xa: {  	s11 =	simm.s32 $0x0;
	s3 =	rddreg [dreg:$0x1];
	s5 =	sadd.s32 s4, s5  }
0xb: {  	_ =	strace $0x8000004A;
	s4 =	simm.s32 $0x1;
	s5 =	smul.u32 $0xC8, s5  }
0xc: {  	s6 =	sadd.s32 $0x1400, s6;
	s10 =	smov.u32 s2;
	[sflag:s4] =	ssyncpa.u1 $0x0  }
0xd: {  	p0 =	por $0x0, $0x0;
	[sflag:s7] =	ssyncpa.u1 $0x0;
	s7 =	sor.u32 $0x1, s5  }
.LBB1_4:
0xe: {  	s16 =	sshll.u32 s13, $0x3;
	s17 =	sand.u32 $0x78, s13  }
0xf: {  	s30 =	sand.u32 $0x7E00, s13;
	s12 =	sshll.u32 s12, $0xF;
	s16 =	sand.u32 $0xC00, s16  }
0x10: {  	[tilespmem:s15+$0x810 ss:$0x81] =	vst.msk $0xffff, v2;
	s31 =	sand.u32 $0x7, s13;
	s16 =	sor.u32 s17, s16;
	s17 =	sadd.s32 s3, s30  }
0x11: {  	[tilespmem:s15+$0x1020 ss:$0x81] =	vst.msk $0xffff, v0;
	s13 =	sshll.u32 s31, $0x12;
	s12 =	sadd.s32 s12, s17;
	s16 =	sshrl.u32 s16, $0x3  }
0x12: {  	[tilespmem:s15+$0x0 ss:$0x81] =	vst.msk $0xffff, v1;
	s13 =	sor.u32 $0x400, s13;
	s12 =	sadd.s32 s16, s12  }
0x13: {  	[hbm4b:s12+s13] =	stream.strided.scatter [tilespmem:s14], [sflag:$0x2], $0x2000, s8, s13, $0x20;
	[tilespmem:$0x8080] =	vst v63  }
.LBB1_5:
0x14: {  	s14 =	sadd.s32 $0x1, s9  }
0x15: {  	s12 =	sadd.s32 $0x1000, s10;
	s16 =	smov.u32 s10;
	p2 =	sgt.s32 s14, $0xC7  }
0x16: {  	s16 =	smov.u32 @p2 s12  }
0x17: {  	s14 =	simm.s32 @p2 $0x0;
	p2 =	sgt.s32 s16, $0xFFF  }
0x18: {  	s16 =	smov.u32 @p2 s2;
	p2 =	sne.s32 s11, s7  }
.Ltmp1:
0x19: {  	p1 =	slt.u32 s11, $0x2;
	(pc) =	sbr.rel @!p2 .LBB1_6-.Ltmp1, $4  }
0x1a: {  	s15 =	simm.s32 @!p1 $0x2  }
0x1b: {  	s13 =	smov.u32 s10;
	p0 =	por !p0, !p0;
	_ =	swait.ge @!p1 [sflag:s15], $0x2000  }
0x1c: {  	s12 =	smov.u32 s9;
	[sflag:s15] =	ssyncset.done @!p1 $0x0;
	s9 =	smov.u32 s14  }
0x1d: {  	s11 =	sadd.s32 $0x1, s11;
	[sflag:s15] =	ssyncadd.s32 @!p1 $0xFFFFE000;
	s10 =	smov.u32 s16  }
.LBB1_1:
0x1e: {  	p1 =	sge.u32 s11, s5  }
0x1f: {  	s14 =	sand.u32 @!p1 $0x1FFFFFF, s9  }
0x20: {  	s15 =	smulhi.u32 @!p1 $0x147AE15, s14;
	_ =	sdelay $0x1  }
0x21: {  	s15 =	smul.u32 @!p1 $0xC8, s15  }
0x22: {  	s16 =	sxor.u32 @!p1 $0xFFFFFFFF, s11;
	s17 =	smul.u32 @!p1 $0xC80, s10  }
0x23: {  	s31 =	sadd.s32 $0xFFFFFFFF, s11;
	s16 =	sshll.u32 @!p1 s16, $0xD;
	s14 =	ssub.s32 @!p1 s14, s15  }
0x24: {  	s15 =	sand.u32 @!p1 $0x2000, s16;
	s16 =	sadd.s32 @!p1 s6, s17;
	s14 =	sshll.u32 @!p1 s14, $0x4  }
0x25: {  	s17 =	simm.s32 @!p1 $0x6400;
	s14 =	sadd.s32 @!p1 s14, s16;
	s16 =	simm.s32 @!p1 $0x40  }
0x26: {  	[tilespmem:s15], [sflag:$0x1] =	stream.strided.gather @!p1 [hbm4b:s14+s16], $0x2000, s17, s16, $0x38;
	[tilespmem:$0x8080] =	vst v63  }
0x27: {  	p1 =	sge.u32 s31, s5  }
.Ltmp2:
0x28: {  	_ = 	snop;
	(pc) =	sbr.rel @p1 .LBB1_5-.Ltmp2, $1  }
0x29: {  	_ =	sdelay $0x3  }
0x2a: {  	s14 =	simm.s32 $0x1  }
0x2b: {  	_ =	swait.ge [sflag:s4], $0x2000;
	s14 =	simm.s32 @!p0 $0x0  }
0x2c: {  	[sflag:s4] =	ssyncset.done $0x0;
	s15 =	sshll.u32 s14, $0xD  }
0x2d: {  	[sflag:s4] =	ssyncadd.s32 $0xFFFFE000;
	s18 =	sor.u32 $0x20, s15  }
0x2e: {  	s14 =	smul.u32 $0x8100, s14;
	v3 =	vld [tilespmem:s18+$0x10]  }
0x2f: {  	s30 =	sand.u32 $0x1, s11;
	v2 =	vld [tilespmem:s18+$0xFFFFFFF0]  }
0x30: {  	s15 =	smul.u32 $0x8100, s30;
	s14 =	sshrl.u32 s14, $0x2;
	v0 =	vld [tilespmem:s18+$0x0]  }
0x31: {  	v1 =	vld [tilespmem:s18+$0xFFFFFFE0];
	s16 =	sor.u32 $0x4000, s14  }
0x32: {  	s31 =	sshrl.u32 s15, $0x2;
	s15 =	sadd.s32 $0x0, s16  }
0x33: {  	s17 =	simm.s32 $0x4;
	s18 =	sadd.s32 $0x40, s18;
	s14 =	sor.u32 $0x4000, s31;
	[tilespmem:s15+$0x1830 ss:$0x81] =	vst.msk $0xffff, v3  }
.LBB1_3:
0x34: {  	v3 =	vld [tilespmem:s18+$0x10];
	p1 =	sne.s32 s17, $0x1FC;
	[tilespmem:s15+$0x810 ss:$0x81] =	vst.msk $0xffff, v2;
	s19 =	smov.u32 s17;
	s17 =	sadd.s32 $0x4, s17  }
.Ltmp3:
0x35: {  	v2 =	vld [tilespmem:s18+$0xFFFFFFF0];
	[tilespmem:s15+$0x1020 ss:$0x81] =	vst.msk $0xffff, v0;
	(pc) =	sbr.rel @p1 .LBB1_3-.Ltmp3, $4  }
0x36: {  	v0 =	vld [tilespmem:s18+$0x0];
	[tilespmem:s15+$0x0 ss:$0x81] =	vst.msk $0xffff, v1  }
0x37: {  	s15 =	sshra.s32 s19, $0x2;
	v1 =	vld [tilespmem:s18+$0xFFFFFFE0]  }
0x38: {  	s15 =	sadd.s32 s15, s16  }
0x39: {  	s18 =	sadd.s32 $0x40, s18;
	[tilespmem:s15+$0x1830 ss:$0x81] =	vst.msk $0xffff, v3  }
.Ltmp4:
0x3a: {  	_ = 	snop;
	(pc) =	sbr.rel .LBB1_4-.Ltmp4, $1  }
0x3b: {  	_ =	sdelay $0x3  }
.LBB1_6:
0x3c: {  	_ =	sfence.sel $0x180000  }
0x3d: {  	s2 =	simm.s32 $0x1;
	[bflag:$0x0] =	sbarrier.arrive $0xFFFF  }
0x3e: {  	s31 =	simm.s32 $0x2;
	[sflag:s2] =	ssyncpa.u1 $0x1  }
0x3f: {  	[sflag:s31] =	ssyncpa.u1 $0x1  }
0x40: {  	p0 =	sne.s32 s0, $0x0;
	_ =	strace $0x9000004A  }
0x41: {  	s0 =	sadd.s32 @!p0 $0x100000, s1;
	[bflag:$0x2] =	sbarrier.arrive $0xFFFF  }
0x42: {  	[sflag:s0] =	ssyncadd.tile.s32 @!p0 $0x1;
	_ =	shalt  }
.Lfunc_end1:
_tile_overlayer_lowered:
.L_overlay_start_2:
0x43: {  	(tag) =	ssettag $0x2  }
0x44: {  	s0 =	rddreg [dreg:$0x0];
	s2 =	stileid.u32  }
0x45: {  	s1 =	rddreg [dreg:$0x1];
	p0 =	sne.s32 s2, $0x0  }
0x46: {  	s3 =	rddreg [dreg:$0x2];
	[bflag:$0x3] =	sbarrier.arrive $0xFFFF;
	s2 =	simm.s32 @!p0 $0x1C01  }
0x47: {  	[timem:s3], [sflag:s2] =	dma.local @!p0 [hbm:s0], s1  }
0x48: {  	s0 =	simm.s32 @!p0 $0x1  }
0x49: {  	_ =	swait.ge @!p0 [sflag:s0], s1  }
0x4a: {  	s1 =	ssub.s32 @!p0 $0x0, s1;
	[sflag:s0] =	ssyncset.done @!p0 $0x0  }
0x4b: {  	[sflag:s0] =	ssyncadd.s32 @!p0 s1  }
0x4c: {  	[bflag:$0x3] =	sbarrier.arrive $0xFFFF  }
0x4d: {  	_ =	shalt  }

</sc_bundles>
